<compile_context>
chip_gen: v7x
topology: tpu7x:2x2x1
jax: 0.10.2.dev20260603
libtpu: 0.0.44.dev20260713+nightly
codegen_flags: <defaults>
</compile_context>

<pallas_src>
import jax
import jax.numpy as jnp
from jax import lax
from jax.experimental import pallas as pl
from jax.experimental.pallas import tpu as pltpu
from jax.experimental.pallas import tpu_sc as plsc

BATCH = 4096
HIST = 200
D_MODEL = 128
NUM_INDICES = BATCH * HIST
NC, NS = 2, 16
NW = NC * NS
N_PER_W = NUM_INDICES // NW
CHUNK = 200
NBUF = 4
N_CHUNKS = N_PER_W // CHUNK


def kernel(timesteps, pe):
    indices = timesteps.reshape((NUM_INDICES,))

    vector_mesh = plsc.VectorSubcoreMesh(
        core_axis_name="core", subcore_axis_name="subcore"
    )

    @jax.jit
    def gather(pe, indices):
        @pl.kernel(
            out_type=jax.ShapeDtypeStruct((NUM_INDICES, D_MODEL), pe.dtype),
            mesh=vector_mesh,
            scratch_types=[
                pltpu.VMEM((N_PER_W,), jnp.int32),
                pltpu.VMEM((NBUF, CHUNK, D_MODEL), jnp.float32),
                pltpu.SemaphoreType.DMA,
                pltpu.SemaphoreType.DMA((NBUF,)),
                pltpu.SemaphoreType.DMA((NBUF,)),
            ],
        )
        def sc_kernel(pe_hbm, i_hbm, o_hbm, idx_v, rows_v, isem, gsem, osem):
            wid = lax.axis_index("subcore") * NC + lax.axis_index("core")
            base = wid * N_PER_W
            pltpu.async_copy(i_hbm.at[pl.ds(base, N_PER_W)], idx_v, isem).wait()

            def start_gather(k, b):
                pltpu.async_copy(
                    pe_hbm.at[idx_v.at[pl.ds(k * CHUNK, CHUNK)]],
                    rows_v.at[b],
                    gsem.at[b],
                )

            def wait_gather(b):
                pltpu.make_async_copy(
                    pe_hbm.at[idx_v.at[pl.ds(0, CHUNK)]],
                    rows_v.at[b],
                    gsem.at[b],
                ).wait()

            def start_out(k, b):
                pltpu.async_copy(
                    rows_v.at[b],
                    o_hbm.at[pl.ds(base + k * CHUNK, CHUNK)],
                    osem.at[b],
                )

            def wait_out(b):
                pltpu.make_async_copy(
                    rows_v.at[b],
                    o_hbm.at[pl.ds(base, CHUNK)],
                    osem.at[b],
                ).wait()

            for b in range(NBUF):
                start_gather(b, b)

            @pl.loop(0, N_CHUNKS, step=NBUF)
            def _(g):
                for b in range(NBUF):
                    k = g + b
                    wait_gather(b)
                    start_out(k, b)

                    @pl.when(k + NBUF < N_CHUNKS)
                    def _():
                        wait_out(b)
                        start_gather(k + NBUF, b)

            for b in range(NBUF):
                wait_out(b)

        return sc_kernel(pe, indices)

    out = gather(pe, indices)
    return out.reshape((BATCH, HIST, D_MODEL))

# --- scband reference (transcript-rebuilt; emitter-appended) ---
"""Pipeline reference for scband-sinusoidal-positional-encoding-16681652978331 (READ-ONLY COPY).

The authoritative reference and input builder live on the scoring server;
editing this copy changes nothing except your own understanding.
"""

import jax, jax.numpy as jnp
import numpy as np
import math

D_MODEL = 128
MAX_LEN = 100000
BATCH = 4096
HIST = 200


def _build_pe(max_len, d_model):
    position = jnp.arange(max_len, dtype=jnp.float32)[:, None]
    div_term = jnp.exp(jnp.arange(0, d_model, 2, dtype=jnp.float32) * (-math.log(10000.0) / d_model))
    pe = jnp.zeros((max_len, d_model), dtype=jnp.float32)
    pe = pe.at[:, 0::2].set(jnp.sin(position * div_term))
    pe = pe.at[:, 1::2].set(jnp.cos(position * div_term))
    return pe


def setup_inputs(seed: int = 0) -> dict:
    key = jax.random.key(seed)
    timesteps = jax.random.randint(key, (BATCH, HIST), 0, MAX_LEN, dtype=jnp.int32)
    pe = _build_pe(MAX_LEN, D_MODEL)
    return {"timesteps": timesteps, "pe": pe}


def reference(timesteps, pe):
    # SinusoidalPositionalEncoding.forward: gather rows of the pe buffer
    return jnp.take(pe, timesteps, axis=0)

if __name__ == "__main__":
    import jax
    _d = setup_inputs()
    print(jax.jit(kernel)(*tuple(_d.values())))

</pallas_src>

<mosaic_0001>
#map = affine_map<(d0, d1) -> (0, 0)>
#map1 = affine_map<(d0, d1) -> (0)>
module attributes {stable_mosaic.version = 14 : i64} {
  func.func @sc_kernel(%arg0: i32, %arg1: i32, %arg2: memref<100000x128xf32, #tpu.memory_space<hbm>>, %arg3: memref<819200xi32, #tpu.memory_space<hbm>>, %arg4: memref<819200x128xf32, #tpu.memory_space<hbm>>, %arg5: memref<25600xi32, #tpu.memory_space<vmem>>, %arg6: memref<4x200x128xf32, #tpu.memory_space<vmem>>, %arg7: memref<!tpu.dma_semaphore, #tpu.memory_space<semaphore_mem>>, %arg8: memref<4x!tpu.dma_semaphore, #tpu.memory_space<semaphore_mem>>, %arg9: memref<4x!tpu.dma_semaphore, #tpu.memory_space<semaphore_mem>>) attributes {dimension_semantics = [#tpu.dimension_semantics<core_parallel>, #tpu.dimension_semantics<subcore_parallel>], iteration_bounds = array<i64: 2, 16>, scalar_prefetch = 0 : i64, scratch_operands = 5 : i64, tpu.core_type = #tpu.core_type<sc_vector_subcore>, window_params = [{transform_indices = #map}, {transform_indices = #map1}, {transform_indices = #map}]} {
    %mul3A = arith.constant 2 : i32
    %mul3A_0 = arith.muli %arg1, %mul3A : i32
    %add3A = arith.addi %mul3A_0, %arg0 : i32
    %mul3A_1 = arith.constant 25600 : i32
    %mul3A_2 = arith.muli %add3A, %mul3A_1 : i32
    %dma_start3A = tpu.memref_slice %arg3[%mul3A_2] : memref<819200xi32, #tpu.memory_space<hbm>> -> memref<25600xi32, #tpu.memory_space<hbm>>
    %dma_start3A_3 = tpu.memref_slice %arg3[%mul3A_2] : memref<819200xi32, #tpu.memory_space<hbm>> -> memref<25600xi32, #tpu.memory_space<hbm>>
    tpu.enqueue_dma source(%dma_start3A_3 : memref<25600xi32, #tpu.memory_space<hbm>>) target(%arg5 : memref<25600xi32, #tpu.memory_space<vmem>>) target_semaphore(%arg7 : memref<!tpu.dma_semaphore, #tpu.memory_space<semaphore_mem>>)
    %dma_wait3A = tpu.memref_slice %arg3[%mul3A_2] : memref<819200xi32, #tpu.memory_space<hbm>> -> memref<25600xi32, #tpu.memory_space<hbm>>
    %dma_wait3A_4 = tpu.memref_slice %arg3[%mul3A_2] : memref<819200xi32, #tpu.memory_space<hbm>> -> memref<25600xi32, #tpu.memory_space<hbm>>
    tpu.wait_dma2 semaphore(%arg7 : memref<!tpu.dma_semaphore, #tpu.memory_space<semaphore_mem>>) src(%dma_wait3A_4 : memref<25600xi32, #tpu.memory_space<hbm>>) dst(%arg5 : memref<25600xi32, #tpu.memory_space<vmem>>)
    %dma_start3A_5 = arith.constant 0 : i32
    %dma_start3A_6 = arith.constant 0 : i32
    %dma_start3A_7 = arith.constant 0 : i32
    %dma_start3A_8 = arith.constant 0 : i32
    %dma_start3A_9 = tpu.memref_slice %arg6[%dma_start3A_5, %dma_start3A_7, %dma_start3A_8] : memref<4x200x128xf32, #tpu.memory_space<vmem>> -> memref<1x200x128xf32, #tpu.memory_space<vmem>>
    %dma_start3A_10 = tpu.memref_squeeze %dma_start3A_9 : memref<1x200x128xf32, #tpu.memory_space<vmem>> -> memref<200x128xf32, #tpu.memory_space<vmem>>
    %dma_start3A_11 = arith.constant 0 : i32
    %dma_start3A_12 = tpu.memref_slice %arg5[%dma_start3A_11] : memref<25600xi32, #tpu.memory_space<vmem>> -> memref<200xi32, #tpu.memory_space<vmem>>
    %dma_start3A_13 = arith.constant 0 : i32
    %dma_start3A_14 = arith.constant 0 : i32
    %dma_start3A_15 = tpu.memref_slice %arg2[%dma_start3A_13, %dma_start3A_14] : memref<100000x128xf32, #tpu.memory_space<hbm>> -> memref<100000x128xf32, #tpu.memory_space<hbm>>
    %dma_start3A_16 = tpu.memref_slice %arg8[%dma_start3A_6] : memref<4x!tpu.dma_semaphore, #tpu.memory_space<semaphore_mem>> -> memref<1x!tpu.dma_semaphore, #tpu.memory_space<semaphore_mem>>
    %dma_start3A_17 = tpu.memref_squeeze %dma_start3A_16 : memref<1x!tpu.dma_semaphore, #tpu.memory_space<semaphore_mem>> -> memref<!tpu.dma_semaphore, #tpu.memory_space<semaphore_mem>>
    tpu.enqueue_indirect_dma source(%dma_start3A_15 : memref<100000x128xf32, #tpu.memory_space<hbm>>) target(%dma_start3A_10 : memref<200x128xf32, #tpu.memory_space<vmem>>) offsets(%dma_start3A_12 : memref<200xi32, #tpu.memory_space<vmem>>) semaphore(%dma_start3A_17 : memref<!tpu.dma_semaphore, #tpu.memory_space<semaphore_mem>>)
    %dma_start3A_18 = arith.constant 1 : i32
    %dma_start3A_19 = arith.constant 1 : i32
    %dma_start3A_20 = arith.constant 0 : i32
    %dma_start3A_21 = arith.constant 0 : i32
    %dma_start3A_22 = tpu.memref_slice %arg6[%dma_start3A_18, %dma_start3A_20, %dma_start3A_21] : memref<4x200x128xf32, #tpu.memory_space<vmem>> -> memref<1x200x128xf32, #tpu.memory_space<vmem>>
    %dma_start3A_23 = tpu.memref_squeeze %dma_start3A_22 : memref<1x200x128xf32, #tpu.memory_space<vmem>> -> memref<200x128xf32, #tpu.memory_space<vmem>>
    %dma_start3A_24 = arith.constant 200 : i32
    %dma_start3A_25 = tpu.memref_slice %arg5[%dma_start3A_24] : memref<25600xi32, #tpu.memory_space<vmem>> -> memref<200xi32, #tpu.memory_space<vmem>>
    %dma_start3A_26 = arith.constant 0 : i32
    %dma_start3A_27 = arith.constant 0 : i32
    %dma_start3A_28 = tpu.memref_slice %arg2[%dma_start3A_26, %dma_start3A_27] : memref<100000x128xf32, #tpu.memory_space<hbm>> -> memref<100000x128xf32, #tpu.memory_space<hbm>>
    %dma_start3A_29 = tpu.memref_slice %arg8[%dma_start3A_19] : memref<4x!tpu.dma_semaphore, #tpu.memory_space<semaphore_mem>> -> memref<1x!tpu.dma_semaphore, #tpu.memory_space<semaphore_mem>>
    %dma_start3A_30 = tpu.memref_squeeze %dma_start3A_29 : memref<1x!tpu.dma_semaphore, #tpu.memory_space<semaphore_mem>> -> memref<!tpu.dma_semaphore, #tpu.memory_space<semaphore_mem>>
    tpu.enqueue_indirect_dma source(%dma_start3A_28 : memref<100000x128xf32, #tpu.memory_space<hbm>>) target(%dma_start3A_23 : memref<200x128xf32, #tpu.memory_space<vmem>>) offsets(%dma_start3A_25 : memref<200xi32, #tpu.memory_space<vmem>>) semaphore(%dma_start3A_30 : memref<!tpu.dma_semaphore, #tpu.memory_space<semaphore_mem>>)
    %dma_start3A_31 = arith.constant 2 : i32
    %dma_start3A_32 = arith.constant 2 : i32
    %dma_start3A_33 = arith.constant 0 : i32
    %dma_start3A_34 = arith.constant 0 : i32
    %dma_start3A_35 = tpu.memref_slice %arg6[%dma_start3A_31, %dma_start3A_33, %dma_start3A_34] : memref<4x200x128xf32, #tpu.memory_space<vmem>> -> memref<1x200x128xf32, #tpu.memory_space<vmem>>
    %dma_start3A_36 = tpu.memref_squeeze %dma_start3A_35 : memref<1x200x128xf32, #tpu.memory_space<vmem>> -> memref<200x128xf32, #tpu.memory_space<vmem>>
    %dma_start3A_37 = arith.constant 400 : i32
    %dma_start3A_38 = tpu.memref_slice %arg5[%dma_start3A_37] : memref<25600xi32, #tpu.memory_space<vmem>> -> memref<200xi32, #tpu.memory_space<vmem>>
    %dma_start3A_39 = arith.constant 0 : i32
    %dma_start3A_40 = arith.constant 0 : i32
    %dma_start3A_41 = tpu.memref_slice %arg2[%dma_start3A_39, %dma_start3A_40] : memref<100000x128xf32, #tpu.memory_space<hbm>> -> memref<100000x128xf32, #tpu.memory_space<hbm>>
    %dma_start3A_42 = tpu.memref_slice %arg8[%dma_start3A_32] : memref<4x!tpu.dma_semaphore, #tpu.memory_space<semaphore_mem>> -> memref<1x!tpu.dma_semaphore, #tpu.memory_space<semaphore_mem>>
    %dma_start3A_43 = tpu.memref_squeeze %dma_start3A_42 : memref<1x!tpu.dma_semaphore, #tpu.memory_space<semaphore_mem>> -> memref<!tpu.dma_semaphore, #tpu.memory_space<semaphore_mem>>
    tpu.enqueue_indirect_dma source(%dma_start3A_41 : memref<100000x128xf32, #tpu.memory_space<hbm>>) target(%dma_start3A_36 : memref<200x128xf32, #tpu.memory_space<vmem>>) offsets(%dma_start3A_38 : memref<200xi32, #tpu.memory_space<vmem>>) semaphore(%dma_start3A_43 : memref<!tpu.dma_semaphore, #tpu.memory_space<semaphore_mem>>)
    %dma_start3A_44 = arith.constant 3 : i32
    %dma_start3A_45 = arith.constant 3 : i32
    %dma_start3A_46 = arith.constant 0 : i32
    %dma_start3A_47 = arith.constant 0 : i32
    %dma_start3A_48 = tpu.memref_slice %arg6[%dma_start3A_44, %dma_start3A_46, %dma_start3A_47] : memref<4x200x128xf32, #tpu.memory_space<vmem>> -> memref<1x200x128xf32, #tpu.memory_space<vmem>>
    %dma_start3A_49 = tpu.memref_squeeze %dma_start3A_48 : memref<1x200x128xf32, #tpu.memory_space<vmem>> -> memref<200x128xf32, #tpu.memory_space<vmem>>
    %dma_start3A_50 = arith.constant 600 : i32
    %dma_start3A_51 = tpu.memref_slice %arg5[%dma_start3A_50] : memref<25600xi32, #tpu.memory_space<vmem>> -> memref<200xi32, #tpu.memory_space<vmem>>
    %dma_start3A_52 = arith.constant 0 : i32
    %dma_start3A_53 = arith.constant 0 : i32
    %dma_start3A_54 = tpu.memref_slice %arg2[%dma_start3A_52, %dma_start3A_53] : memref<100000x128xf32, #tpu.memory_space<hbm>> -> memref<100000x128xf32, #tpu.memory_space<hbm>>
    %dma_start3A_55 = tpu.memref_slice %arg8[%dma_start3A_45] : memref<4x!tpu.dma_semaphore, #tpu.memory_space<semaphore_mem>> -> memref<1x!tpu.dma_semaphore, #tpu.memory_space<semaphore_mem>>
    %dma_start3A_56 = tpu.memref_squeeze %dma_start3A_55 : memref<1x!tpu.dma_semaphore, #tpu.memory_space<semaphore_mem>> -> memref<!tpu.dma_semaphore, #tpu.memory_space<semaphore_mem>>
    tpu.enqueue_indirect_dma source(%dma_start3A_54 : memref<100000x128xf32, #tpu.memory_space<hbm>>) target(%dma_start3A_49 : memref<200x128xf32, #tpu.memory_space<vmem>>) offsets(%dma_start3A_51 : memref<200xi32, #tpu.memory_space<vmem>>) semaphore(%dma_start3A_56 : memref<!tpu.dma_semaphore, #tpu.memory_space<semaphore_mem>>)
    %scan3A = arith.constant 0 : i32
    %scan3A_57 = arith.constant 32 : i32
    %scan3A_58 = arith.addi %scan3A, %scan3A_57 : i32
    %scan3A_59 = arith.constant 1 : i32
    scf.for %scan3A_125 = %scan3A to %scan3A_58 step %scan3A_59  : i32 {
      %mul3A_126 = arith.constant 4 : i32
      %mul3A_127 = arith.muli %scan3A_125, %mul3A_126 : i32
      %add3A_128 = arith.constant 0 : i32
      %add3A_129 = arith.addi %add3A_128, %mul3A_127 : i32
      %add3A_130 = arith.constant 0 : i32
      %add3A_131 = arith.addi %add3A_129, %add3A_130 : i32
      %dma_wait3A_132 = arith.constant 0 : i32
      %dma_wait3A_133 = arith.constant 0 : i32
      %dma_wait3A_134 = arith.constant 0 : i32
      %dma_wait3A_135 = arith.constant 0 : i32
      %dma_wait3A_136 = tpu.memref_slice %arg6[%dma_wait3A_132, %dma_wait3A_134, %dma_wait3A_135] : memref<4x200x128xf32, #tpu.memory_space<vmem>> -> memref<1x200x128xf32, #tpu.memory_space<vmem>>
      %dma_wait3A_137 = tpu.memref_squeeze %dma_wait3A_136 : memref<1x200x128xf32, #tpu.memory_space<vmem>> -> memref<200x128xf32, #tpu.memory_space<vmem>>
      %dma_wait3A_138 = arith.constant 0 : i32
      %dma_wait3A_139 = tpu.memref_slice %arg5[%dma_wait3A_138] : memref<25600xi32, #tpu.memory_space<vmem>> -> memref<200xi32, #tpu.memory_space<vmem>>
      %dma_wait3A_140 = arith.constant 0 : i32
      %dma_wait3A_141 = arith.constant 0 : i32
      %dma_wait3A_142 = tpu.memref_slice %arg2[%dma_wait3A_140, %dma_wait3A_141] : memref<100000x128xf32, #tpu.memory_space<hbm>> -> memref<100000x128xf32, #tpu.memory_space<hbm>>
      %dma_wait3A_143 = tpu.memref_slice %arg8[%dma_wait3A_133] : memref<4x!tpu.dma_semaphore, #tpu.memory_space<semaphore_mem>> -> memref<1x!tpu.dma_semaphore, #tpu.memory_space<semaphore_mem>>
      %dma_wait3A_144 = tpu.memref_squeeze %dma_wait3A_143 : memref<1x!tpu.dma_semaphore, #tpu.memory_space<semaphore_mem>> -> memref<!tpu.dma_semaphore, #tpu.memory_space<semaphore_mem>>
      tpu.wait_indirect_dma semaphore(%dma_wait3A_144 : memref<!tpu.dma_semaphore, #tpu.memory_space<semaphore_mem>>) src(%dma_wait3A_142 : memref<100000x128xf32, #tpu.memory_space<hbm>>) dst(%dma_wait3A_137 : memref<200x128xf32, #tpu.memory_space<vmem>>)
      %mul3A_145 = arith.constant 200 : i32
      %mul3A_146 = arith.muli %add3A_131, %mul3A_145 : i32
      %add3A_147 = arith.addi %mul3A_2, %mul3A_146 : i32
      %dma_start3A_148 = arith.constant 0 : i32
      %dma_start3A_149 = arith.constant 0 : i32
      %dma_start3A_150 = arith.constant 0 : i32
      %dma_start3A_151 = arith.constant 0 : i32
      %dma_start3A_152 = tpu.memref_slice %arg6[%dma_start3A_148, %dma_start3A_150, %dma_start3A_151] : memref<4x200x128xf32, #tpu.memory_space<vmem>> -> memref<1x200x128xf32, #tpu.memory_space<vmem>>
      %dma_start3A_153 = tpu.memref_squeeze %dma_start3A_152 : memref<1x200x128xf32, #tpu.memory_space<vmem>> -> memref<200x128xf32, #tpu.memory_space<vmem>>
      %dma_start3A_154 = arith.constant 0 : i32
      %dma_start3A_155 = tpu.memref_slice %arg4[%add3A_147, %dma_start3A_154] : memref<819200x128xf32, #tpu.memory_space<hbm>> -> memref<200x128xf32, #tpu.memory_space<hbm>>
      %dma_start3A_156 = tpu.memref_slice %arg9[%dma_start3A_149] : memref<4x!tpu.dma_semaphore, #tpu.memory_space<semaphore_mem>> -> memref<1x!tpu.dma_semaphore, #tpu.memory_space<semaphore_mem>>
      %dma_start3A_157 = tpu.memref_squeeze %dma_start3A_156 : memref<1x!tpu.dma_semaphore, #tpu.memory_space<semaphore_mem>> -> memref<!tpu.dma_semaphore, #tpu.memory_space<semaphore_mem>>
      %dma_start3A_158 = arith.constant 0 : i32
      %dma_start3A_159 = tpu.memref_slice %arg4[%add3A_147, %dma_start3A_158] : memref<819200x128xf32, #tpu.memory_space<hbm>> -> memref<200x128xf32, #tpu.memory_space<hbm>>
      %dma_start3A_160 = arith.constant 0 : i32
      %dma_start3A_161 = arith.constant 0 : i32
      %dma_start3A_162 = tpu.memref_slice %arg6[%dma_start3A_148, %dma_start3A_160, %dma_start3A_161] : memref<4x200x128xf32, #tpu.memory_space<vmem>> -> memref<1x200x128xf32, #tpu.memory_space<vmem>>
      %dma_start3A_163 = tpu.memref_squeeze %dma_start3A_162 : memref<1x200x128xf32, #tpu.memory_space<vmem>> -> memref<200x128xf32, #tpu.memory_space<vmem>>
      tpu.enqueue_dma source(%dma_start3A_163 : memref<200x128xf32, #tpu.memory_space<vmem>>) target(%dma_start3A_159 : memref<200x128xf32, #tpu.memory_space<hbm>>) target_semaphore(%dma_start3A_157 : memref<!tpu.dma_semaphore, #tpu.memory_space<semaphore_mem>>)
      %add3A_164 = arith.constant 4 : i32
      %add3A_165 = arith.addi %add3A_131, %add3A_164 : i32
      %lt3A = arith.constant 128 : i32
      %lt3A_166 = arith.cmpi slt, %add3A_165, %lt3A : i32
      %convert_element_type3A = arith.extui %lt3A_166 : i1 to i32
      %cond3A = arith.constant 0 : i32
      %cond3A_167 = arith.cmpi ne, %convert_element_type3A, %cond3A : i32
      scf.if %cond3A_167 {
        %dma_wait3A_291 = arith.constant 0 : i32
        %dma_wait3A_292 = arith.constant 0 : i32
        %dma_wait3A_293 = arith.constant 0 : i32
        %dma_wait3A_294 = arith.constant 0 : i32
        %dma_wait3A_295 = tpu.memref_slice %arg6[%dma_wait3A_291, %dma_wait3A_293, %dma_wait3A_294] : memref<4x200x128xf32, #tpu.memory_space<vmem>> -> memref<1x200x128xf32, #tpu.memory_space<vmem>>
        %dma_wait3A_296 = tpu.memref_squeeze %dma_wait3A_295 : memref<1x200x128xf32, #tpu.memory_space<vmem>> -> memref<200x128xf32, #tpu.memory_space<vmem>>
        %dma_wait3A_297 = arith.constant 0 : i32
        %dma_wait3A_298 = tpu.memref_slice %arg4[%mul3A_2, %dma_wait3A_297] : memref<819200x128xf32, #tpu.memory_space<hbm>> -> memref<200x128xf32, #tpu.memory_space<hbm>>
        %dma_wait3A_299 = tpu.memref_slice %arg9[%dma_wait3A_292] : memref<4x!tpu.dma_semaphore, #tpu.memory_space<semaphore_mem>> -> memref<1x!tpu.dma_semaphore, #tpu.memory_space<semaphore_mem>>
        %dma_wait3A_300 = tpu.memref_squeeze %dma_wait3A_299 : memref<1x!tpu.dma_semaphore, #tpu.memory_space<semaphore_mem>> -> memref<!tpu.dma_semaphore, #tpu.memory_space<semaphore_mem>>
        %dma_wait3A_301 = arith.constant 0 : i32
        %dma_wait3A_302 = tpu.memref_slice %arg4[%mul3A_2, %dma_wait3A_301] : memref<819200x128xf32, #tpu.memory_space<hbm>> -> memref<200x128xf32, #tpu.memory_space<hbm>>
        %dma_wait3A_303 = arith.constant 0 : i32
        %dma_wait3A_304 = arith.constant 0 : i32
        %dma_wait3A_305 = tpu.memref_slice %arg6[%dma_wait3A_291, %dma_wait3A_303, %dma_wait3A_304] : memref<4x200x128xf32, #tpu.memory_space<vmem>> -> memref<1x200x128xf32, #tpu.memory_space<vmem>>
        %dma_wait3A_306 = tpu.memref_squeeze %dma_wait3A_305 : memref<1x200x128xf32, #tpu.memory_space<vmem>> -> memref<200x128xf32, #tpu.memory_space<vmem>>
        tpu.wait_dma2 semaphore(%dma_wait3A_300 : memref<!tpu.dma_semaphore, #tpu.memory_space<semaphore_mem>>) src(%dma_wait3A_306 : memref<200x128xf32, #tpu.memory_space<vmem>>) dst(%dma_wait3A_302 : memref<200x128xf32, #tpu.memory_space<hbm>>)
        %add3A_307 = arith.constant 4 : i32
        %add3A_308 = arith.addi %add3A_131, %add3A_307 : i32
        %mul3A_309 = arith.constant 200 : i32
        %mul3A_310 = arith.muli %add3A_308, %mul3A_309 : i32
        %dma_start3A_311 = arith.constant 0 : i32
        %dma_start3A_312 = arith.constant 0 : i32
        %dma_start3A_313 = arith.constant 0 : i32
        %dma_start3A_314 = arith.constant 0 : i32
        %dma_start3A_315 = tpu.memref_slice %arg6[%dma_start3A_311, %dma_start3A_313, %dma_start3A_314] : memref<4x200x128xf32, #tpu.memory_space<vmem>> -> memref<1x200x128xf32, #tpu.memory_space<vmem>>
        %dma_start3A_316 = tpu.memref_squeeze %dma_start3A_315 : memref<1x200x128xf32, #tpu.memory_space<vmem>> -> memref<200x128xf32, #tpu.memory_space<vmem>>
        %dma_start3A_317 = tpu.memref_slice %arg5[%mul3A_310] : memref<25600xi32, #tpu.memory_space<vmem>> -> memref<200xi32, #tpu.memory_space<vmem>>
        %dma_start3A_318 = arith.constant 0 : i32
        %dma_start3A_319 = arith.constant 0 : i32
        %dma_start3A_320 = tpu.memref_slice %arg2[%dma_start3A_318, %dma_start3A_319] : memref<100000x128xf32, #tpu.memory_space<hbm>> -> memref<100000x128xf32, #tpu.memory_space<hbm>>
        %dma_start3A_321 = tpu.memref_slice %arg8[%dma_start3A_312] : memref<4x!tpu.dma_semaphore, #tpu.memory_space<semaphore_mem>> -> memref<1x!tpu.dma_semaphore, #tpu.memory_space<semaphore_mem>>
        %dma_start3A_322 = tpu.memref_squeeze %dma_start3A_321 : memref<1x!tpu.dma_semaphore, #tpu.memory_space<semaphore_mem>> -> memref<!tpu.dma_semaphore, #tpu.memory_space<semaphore_mem>>
        tpu.enqueue_indirect_dma source(%dma_start3A_320 : memref<100000x128xf32, #tpu.memory_space<hbm>>) target(%dma_start3A_316 : memref<200x128xf32, #tpu.memory_space<vmem>>) offsets(%dma_start3A_317 : memref<200xi32, #tpu.memory_space<vmem>>) semaphore(%dma_start3A_322 : memref<!tpu.dma_semaphore, #tpu.memory_space<semaphore_mem>>)
      } else {
      }
      %add3A_168 = arith.constant 1 : i32
      %add3A_169 = arith.addi %add3A_129, %add3A_168 : i32
      %dma_wait3A_170 = arith.constant 1 : i32
      %dma_wait3A_171 = arith.constant 1 : i32
      %dma_wait3A_172 = arith.constant 0 : i32
      %dma_wait3A_173 = arith.constant 0 : i32
      %dma_wait3A_174 = tpu.memref_slice %arg6[%dma_wait3A_170, %dma_wait3A_172, %dma_wait3A_173] : memref<4x200x128xf32, #tpu.memory_space<vmem>> -> memref<1x200x128xf32, #tpu.memory_space<vmem>>
      %dma_wait3A_175 = tpu.memref_squeeze %dma_wait3A_174 : memref<1x200x128xf32, #tpu.memory_space<vmem>> -> memref<200x128xf32, #tpu.memory_space<vmem>>
      %dma_wait3A_176 = arith.constant 0 : i32
      %dma_wait3A_177 = tpu.memref_slice %arg5[%dma_wait3A_176] : memref<25600xi32, #tpu.memory_space<vmem>> -> memref<200xi32, #tpu.memory_space<vmem>>
      %dma_wait3A_178 = arith.constant 0 : i32
      %dma_wait3A_179 = arith.constant 0 : i32
      %dma_wait3A_180 = tpu.memref_slice %arg2[%dma_wait3A_178, %dma_wait3A_179] : memref<100000x128xf32, #tpu.memory_space<hbm>> -> memref<100000x128xf32, #tpu.memory_space<hbm>>
      %dma_wait3A_181 = tpu.memref_slice %arg8[%dma_wait3A_171] : memref<4x!tpu.dma_semaphore, #tpu.memory_space<semaphore_mem>> -> memref<1x!tpu.dma_semaphore, #tpu.memory_space<semaphore_mem>>
      %dma_wait3A_182 = tpu.memref_squeeze %dma_wait3A_181 : memref<1x!tpu.dma_semaphore, #tpu.memory_space<semaphore_mem>> -> memref<!tpu.dma_semaphore, #tpu.memory_space<semaphore_mem>>
      tpu.wait_indirect_dma semaphore(%dma_wait3A_182 : memref<!tpu.dma_semaphore, #tpu.memory_space<semaphore_mem>>) src(%dma_wait3A_180 : memref<100000x128xf32, #tpu.memory_space<hbm>>) dst(%dma_wait3A_175 : memref<200x128xf32, #tpu.memory_space<vmem>>)
      %mul3A_183 = arith.constant 200 : i32
      %mul3A_184 = arith.muli %add3A_169, %mul3A_183 : i32
      %add3A_185 = arith.addi %mul3A_2, %mul3A_184 : i32
      %dma_start3A_186 = arith.constant 1 : i32
      %dma_start3A_187 = arith.constant 1 : i32
      %dma_start3A_188 = arith.constant 0 : i32
      %dma_start3A_189 = arith.constant 0 : i32
      %dma_start3A_190 = tpu.memref_slice %arg6[%dma_start3A_186, %dma_start3A_188, %dma_start3A_189] : memref<4x200x128xf32, #tpu.memory_space<vmem>> -> memref<1x200x128xf32, #tpu.memory_space<vmem>>
      %dma_start3A_191 = tpu.memref_squeeze %dma_start3A_190 : memref<1x200x128xf32, #tpu.memory_space<vmem>> -> memref<200x128xf32, #tpu.memory_space<vmem>>
      %dma_start3A_192 = arith.constant 0 : i32
      %dma_start3A_193 = tpu.memref_slice %arg4[%add3A_185, %dma_start3A_192] : memref<819200x128xf32, #tpu.memory_space<hbm>> -> memref<200x128xf32, #tpu.memory_space<hbm>>
      %dma_start3A_194 = tpu.memref_slice %arg9[%dma_start3A_187] : memref<4x!tpu.dma_semaphore, #tpu.memory_space<semaphore_mem>> -> memref<1x!tpu.dma_semaphore, #tpu.memory_space<semaphore_mem>>
      %dma_start3A_195 = tpu.memref_squeeze %dma_start3A_194 : memref<1x!tpu.dma_semaphore, #tpu.memory_space<semaphore_mem>> -> memref<!tpu.dma_semaphore, #tpu.memory_space<semaphore_mem>>
      %dma_start3A_196 = arith.constant 0 : i32
      %dma_start3A_197 = tpu.memref_slice %arg4[%add3A_185, %dma_start3A_196] : memref<819200x128xf32, #tpu.memory_space<hbm>> -> memref<200x128xf32, #tpu.memory_space<hbm>>
      %dma_start3A_198 = arith.constant 0 : i32
      %dma_start3A_199 = arith.constant 0 : i32
      %dma_start3A_200 = tpu.memref_slice %arg6[%dma_start3A_186, %dma_start3A_198, %dma_start3A_199] : memref<4x200x128xf32, #tpu.memory_space<vmem>> -> memref<1x200x128xf32, #tpu.memory_space<vmem>>
      %dma_start3A_201 = tpu.memref_squeeze %dma_start3A_200 : memref<1x200x128xf32, #tpu.memory_space<vmem>> -> memref<200x128xf32, #tpu.memory_space<vmem>>
      tpu.enqueue_dma source(%dma_start3A_201 : memref<200x128xf32, #tpu.memory_space<vmem>>) target(%dma_start3A_197 : memref<200x128xf32, #tpu.memory_space<hbm>>) target_semaphore(%dma_start3A_195 : memref<!tpu.dma_semaphore, #tpu.memory_space<semaphore_mem>>)
      %add3A_202 = arith.constant 4 : i32
      %add3A_203 = arith.addi %add3A_169, %add3A_202 : i32
      %lt3A_204 = arith.constant 128 : i32
      %lt3A_205 = arith.cmpi slt, %add3A_203, %lt3A_204 : i32
      %convert_element_type3A_206 = arith.extui %lt3A_205 : i1 to i32
      %cond3A_207 = arith.constant 0 : i32
      %cond3A_208 = arith.cmpi ne, %convert_element_type3A_206, %cond3A_207 : i32
      scf.if %cond3A_208 {
        %dma_wait3A_291 = arith.constant 1 : i32
        %dma_wait3A_292 = arith.constant 1 : i32
        %dma_wait3A_293 = arith.constant 0 : i32
        %dma_wait3A_294 = arith.constant 0 : i32
        %dma_wait3A_295 = tpu.memref_slice %arg6[%dma_wait3A_291, %dma_wait3A_293, %dma_wait3A_294] : memref<4x200x128xf32, #tpu.memory_space<vmem>> -> memref<1x200x128xf32, #tpu.memory_space<vmem>>
        %dma_wait3A_296 = tpu.memref_squeeze %dma_wait3A_295 : memref<1x200x128xf32, #tpu.memory_space<vmem>> -> memref<200x128xf32, #tpu.memory_space<vmem>>
        %dma_wait3A_297 = arith.constant 0 : i32
        %dma_wait3A_298 = tpu.memref_slice %arg4[%mul3A_2, %dma_wait3A_297] : memref<819200x128xf32, #tpu.memory_space<hbm>> -> memref<200x128xf32, #tpu.memory_space<hbm>>
        %dma_wait3A_299 = tpu.memref_slice %arg9[%dma_wait3A_292] : memref<4x!tpu.dma_semaphore, #tpu.memory_space<semaphore_mem>> -> memref<1x!tpu.dma_semaphore, #tpu.memory_space<semaphore_mem>>
        %dma_wait3A_300 = tpu.memref_squeeze %dma_wait3A_299 : memref<1x!tpu.dma_semaphore, #tpu.memory_space<semaphore_mem>> -> memref<!tpu.dma_semaphore, #tpu.memory_space<semaphore_mem>>
        %dma_wait3A_301 = arith.constant 0 : i32
        %dma_wait3A_302 = tpu.memref_slice %arg4[%mul3A_2, %dma_wait3A_301] : memref<819200x128xf32, #tpu.memory_space<hbm>> -> memref<200x128xf32, #tpu.memory_space<hbm>>
        %dma_wait3A_303 = arith.constant 0 : i32
        %dma_wait3A_304 = arith.constant 0 : i32
        %dma_wait3A_305 = tpu.memref_slice %arg6[%dma_wait3A_291, %dma_wait3A_303, %dma_wait3A_304] : memref<4x200x128xf32, #tpu.memory_space<vmem>> -> memref<1x200x128xf32, #tpu.memory_space<vmem>>
        %dma_wait3A_306 = tpu.memref_squeeze %dma_wait3A_305 : memref<1x200x128xf32, #tpu.memory_space<vmem>> -> memref<200x128xf32, #tpu.memory_space<vmem>>
        tpu.wait_dma2 semaphore(%dma_wait3A_300 : memref<!tpu.dma_semaphore, #tpu.memory_space<semaphore_mem>>) src(%dma_wait3A_306 : memref<200x128xf32, #tpu.memory_space<vmem>>) dst(%dma_wait3A_302 : memref<200x128xf32, #tpu.memory_space<hbm>>)
        %add3A_307 = arith.constant 4 : i32
        %add3A_308 = arith.addi %add3A_169, %add3A_307 : i32
        %mul3A_309 = arith.constant 200 : i32
        %mul3A_310 = arith.muli %add3A_308, %mul3A_309 : i32
        %dma_start3A_311 = arith.constant 1 : i32
        %dma_start3A_312 = arith.constant 1 : i32
        %dma_start3A_313 = arith.constant 0 : i32
        %dma_start3A_314 = arith.constant 0 : i32
        %dma_start3A_315 = tpu.memref_slice %arg6[%dma_start3A_311, %dma_start3A_313, %dma_start3A_314] : memref<4x200x128xf32, #tpu.memory_space<vmem>> -> memref<1x200x128xf32, #tpu.memory_space<vmem>>
        %dma_start3A_316 = tpu.memref_squeeze %dma_start3A_315 : memref<1x200x128xf32, #tpu.memory_space<vmem>> -> memref<200x128xf32, #tpu.memory_space<vmem>>
        %dma_start3A_317 = tpu.memref_slice %arg5[%mul3A_310] : memref<25600xi32, #tpu.memory_space<vmem>> -> memref<200xi32, #tpu.memory_space<vmem>>
        %dma_start3A_318 = arith.constant 0 : i32
        %dma_start3A_319 = arith.constant 0 : i32
        %dma_start3A_320 = tpu.memref_slice %arg2[%dma_start3A_318, %dma_start3A_319] : memref<100000x128xf32, #tpu.memory_space<hbm>> -> memref<100000x128xf32, #tpu.memory_space<hbm>>
        %dma_start3A_321 = tpu.memref_slice %arg8[%dma_start3A_312] : memref<4x!tpu.dma_semaphore, #tpu.memory_space<semaphore_mem>> -> memref<1x!tpu.dma_semaphore, #tpu.memory_space<semaphore_mem>>
        %dma_start3A_322 = tpu.memref_squeeze %dma_start3A_321 : memref<1x!tpu.dma_semaphore, #tpu.memory_space<semaphore_mem>> -> memref<!tpu.dma_semaphore, #tpu.memory_space<semaphore_mem>>
        tpu.enqueue_indirect_dma source(%dma_start3A_320 : memref<100000x128xf32, #tpu.memory_space<hbm>>) target(%dma_start3A_316 : memref<200x128xf32, #tpu.memory_space<vmem>>) offsets(%dma_start3A_317 : memref<200xi32, #tpu.memory_space<vmem>>) semaphore(%dma_start3A_322 : memref<!tpu.dma_semaphore, #tpu.memory_space<semaphore_mem>>)
      } else {
      }
      %add3A_209 = arith.constant 2 : i32
      %add3A_210 = arith.addi %add3A_129, %add3A_209 : i32
      %dma_wait3A_211 = arith.constant 2 : i32
      %dma_wait3A_212 = arith.constant 2 : i32
      %dma_wait3A_213 = arith.constant 0 : i32
      %dma_wait3A_214 = arith.constant 0 : i32
      %dma_wait3A_215 = tpu.memref_slice %arg6[%dma_wait3A_211, %dma_wait3A_213, %dma_wait3A_214] : memref<4x200x128xf32, #tpu.memory_space<vmem>> -> memref<1x200x128xf32, #tpu.memory_space<vmem>>
      %dma_wait3A_216 = tpu.memref_squeeze %dma_wait3A_215 : memref<1x200x128xf32, #tpu.memory_space<vmem>> -> memref<200x128xf32, #tpu.memory_space<vmem>>
      %dma_wait3A_217 = arith.constant 0 : i32
      %dma_wait3A_218 = tpu.memref_slice %arg5[%dma_wait3A_217] : memref<25600xi32, #tpu.memory_space<vmem>> -> memref<200xi32, #tpu.memory_space<vmem>>
      %dma_wait3A_219 = arith.constant 0 : i32
      %dma_wait3A_220 = arith.constant 0 : i32
      %dma_wait3A_221 = tpu.memref_slice %arg2[%dma_wait3A_219, %dma_wait3A_220] : memref<100000x128xf32, #tpu.memory_space<hbm>> -> memref<100000x128xf32, #tpu.memory_space<hbm>>
      %dma_wait3A_222 = tpu.memref_slice %arg8[%dma_wait3A_212] : memref<4x!tpu.dma_semaphore, #tpu.memory_space<semaphore_mem>> -> memref<1x!tpu.dma_semaphore, #tpu.memory_space<semaphore_mem>>
      %dma_wait3A_223 = tpu.memref_squeeze %dma_wait3A_222 : memref<1x!tpu.dma_semaphore, #tpu.memory_space<semaphore_mem>> -> memref<!tpu.dma_semaphore, #tpu.memory_space<semaphore_mem>>
      tpu.wait_indirect_dma semaphore(%dma_wait3A_223 : memref<!tpu.dma_semaphore, #tpu.memory_space<semaphore_mem>>) src(%dma_wait3A_221 : memref<100000x128xf32, #tpu.memory_space<hbm>>) dst(%dma_wait3A_216 : memref<200x128xf32, #tpu.memory_space<vmem>>)
      %mul3A_224 = arith.constant 200 : i32
      %mul3A_225 = arith.muli %add3A_210, %mul3A_224 : i32
      %add3A_226 = arith.addi %mul3A_2, %mul3A_225 : i32
      %dma_start3A_227 = arith.constant 2 : i32
      %dma_start3A_228 = arith.constant 2 : i32
      %dma_start3A_229 = arith.constant 0 : i32
      %dma_start3A_230 = arith.constant 0 : i32
      %dma_start3A_231 = tpu.memref_slice %arg6[%dma_start3A_227, %dma_start3A_229, %dma_start3A_230] : memref<4x200x128xf32, #tpu.memory_space<vmem>> -> memref<1x200x128xf32, #tpu.memory_space<vmem>>
      %dma_start3A_232 = tpu.memref_squeeze %dma_start3A_231 : memref<1x200x128xf32, #tpu.memory_space<vmem>> -> memref<200x128xf32, #tpu.memory_space<vmem>>
      %dma_start3A_233 = arith.constant 0 : i32
      %dma_start3A_234 = tpu.memref_slice %arg4[%add3A_226, %dma_start3A_233] : memref<819200x128xf32, #tpu.memory_space<hbm>> -> memref<200x128xf32, #tpu.memory_space<hbm>>
      %dma_start3A_235 = tpu.memref_slice %arg9[%dma_start3A_228] : memref<4x!tpu.dma_semaphore, #tpu.memory_space<semaphore_mem>> -> memref<1x!tpu.dma_semaphore, #tpu.memory_space<semaphore_mem>>
      %dma_start3A_236 = tpu.memref_squeeze %dma_start3A_235 : memref<1x!tpu.dma_semaphore, #tpu.memory_space<semaphore_mem>> -> memref<!tpu.dma_semaphore, #tpu.memory_space<semaphore_mem>>
      %dma_start3A_237 = arith.constant 0 : i32
      %dma_start3A_238 = tpu.memref_slice %arg4[%add3A_226, %dma_start3A_237] : memref<819200x128xf32, #tpu.memory_space<hbm>> -> memref<200x128xf32, #tpu.memory_space<hbm>>
      %dma_start3A_239 = arith.constant 0 : i32
      %dma_start3A_240 = arith.constant 0 : i32
      %dma_start3A_241 = tpu.memref_slice %arg6[%dma_start3A_227, %dma_start3A_239, %dma_start3A_240] : memref<4x200x128xf32, #tpu.memory_space<vmem>> -> memref<1x200x128xf32, #tpu.memory_space<vmem>>
      %dma_start3A_242 = tpu.memref_squeeze %dma_start3A_241 : memref<1x200x128xf32, #tpu.memory_space<vmem>> -> memref<200x128xf32, #tpu.memory_space<vmem>>
      tpu.enqueue_dma source(%dma_start3A_242 : memref<200x128xf32, #tpu.memory_space<vmem>>) target(%dma_start3A_238 : memref<200x128xf32, #tpu.memory_space<hbm>>) target_semaphore(%dma_start3A_236 : memref<!tpu.dma_semaphore, #tpu.memory_space<semaphore_mem>>)
      %add3A_243 = arith.constant 4 : i32
      %add3A_244 = arith.addi %add3A_210, %add3A_243 : i32
      %lt3A_245 = arith.constant 128 : i32
      %lt3A_246 = arith.cmpi slt, %add3A_244, %lt3A_245 : i32
      %convert_element_type3A_247 = arith.extui %lt3A_246 : i1 to i32
      %cond3A_248 = arith.constant 0 : i32
      %cond3A_249 = arith.cmpi ne, %convert_element_type3A_247, %cond3A_248 : i32
      scf.if %cond3A_249 {
        %dma_wait3A_291 = arith.constant 2 : i32
        %dma_wait3A_292 = arith.constant 2 : i32
        %dma_wait3A_293 = arith.constant 0 : i32
        %dma_wait3A_294 = arith.constant 0 : i32
        %dma_wait3A_295 = tpu.memref_slice %arg6[%dma_wait3A_291, %dma_wait3A_293, %dma_wait3A_294] : memref<4x200x128xf32, #tpu.memory_space<vmem>> -> memref<1x200x128xf32, #tpu.memory_space<vmem>>
        %dma_wait3A_296 = tpu.memref_squeeze %dma_wait3A_295 : memref<1x200x128xf32, #tpu.memory_space<vmem>> -> memref<200x128xf32, #tpu.memory_space<vmem>>
        %dma_wait3A_297 = arith.constant 0 : i32
        %dma_wait3A_298 = tpu.memref_slice %arg4[%mul3A_2, %dma_wait3A_297] : memref<819200x128xf32, #tpu.memory_space<hbm>> -> memref<200x128xf32, #tpu.memory_space<hbm>>
        %dma_wait3A_299 = tpu.memref_slice %arg9[%dma_wait3A_292] : memref<4x!tpu.dma_semaphore, #tpu.memory_space<semaphore_mem>> -> memref<1x!tpu.dma_semaphore, #tpu.memory_space<semaphore_mem>>
        %dma_wait3A_300 = tpu.memref_squeeze %dma_wait3A_299 : memref<1x!tpu.dma_semaphore, #tpu.memory_space<semaphore_mem>> -> memref<!tpu.dma_semaphore, #tpu.memory_space<semaphore_mem>>
        %dma_wait3A_301 = arith.constant 0 : i32
        %dma_wait3A_302 = tpu.memref_slice %arg4[%mul3A_2, %dma_wait3A_301] : memref<819200x128xf32, #tpu.memory_space<hbm>> -> memref<200x128xf32, #tpu.memory_space<hbm>>
        %dma_wait3A_303 = arith.constant 0 : i32
        %dma_wait3A_304 = arith.constant 0 : i32
        %dma_wait3A_305 = tpu.memref_slice %arg6[%dma_wait3A_291, %dma_wait3A_303, %dma_wait3A_304] : memref<4x200x128xf32, #tpu.memory_space<vmem>> -> memref<1x200x128xf32, #tpu.memory_space<vmem>>
        %dma_wait3A_306 = tpu.memref_squeeze %dma_wait3A_305 : memref<1x200x128xf32, #tpu.memory_space<vmem>> -> memref<200x128xf32, #tpu.memory_space<vmem>>
        tpu.wait_dma2 semaphore(%dma_wait3A_300 : memref<!tpu.dma_semaphore, #tpu.memory_space<semaphore_mem>>) src(%dma_wait3A_306 : memref<200x128xf32, #tpu.memory_space<vmem>>) dst(%dma_wait3A_302 : memref<200x128xf32, #tpu.memory_space<hbm>>)
        %add3A_307 = arith.constant 4 : i32
        %add3A_308 = arith.addi %add3A_210, %add3A_307 : i32
        %mul3A_309 = arith.constant 200 : i32
        %mul3A_310 = arith.muli %add3A_308, %mul3A_309 : i32
        %dma_start3A_311 = arith.constant 2 : i32
        %dma_start3A_312 = arith.constant 2 : i32
        %dma_start3A_313 = arith.constant 0 : i32
        %dma_start3A_314 = arith.constant 0 : i32
        %dma_start3A_315 = tpu.memref_slice %arg6[%dma_start3A_311, %dma_start3A_313, %dma_start3A_314] : memref<4x200x128xf32, #tpu.memory_space<vmem>> -> memref<1x200x128xf32, #tpu.memory_space<vmem>>
        %dma_start3A_316 = tpu.memref_squeeze %dma_start3A_315 : memref<1x200x128xf32, #tpu.memory_space<vmem>> -> memref<200x128xf32, #tpu.memory_space<vmem>>
        %dma_start3A_317 = tpu.memref_slice %arg5[%mul3A_310] : memref<25600xi32, #tpu.memory_space<vmem>> -> memref<200xi32, #tpu.memory_space<vmem>>
        %dma_start3A_318 = arith.constant 0 : i32
        %dma_start3A_319 = arith.constant 0 : i32
        %dma_start3A_320 = tpu.memref_slice %arg2[%dma_start3A_318, %dma_start3A_319] : memref<100000x128xf32, #tpu.memory_space<hbm>> -> memref<100000x128xf32, #tpu.memory_space<hbm>>
        %dma_start3A_321 = tpu.memref_slice %arg8[%dma_start3A_312] : memref<4x!tpu.dma_semaphore, #tpu.memory_space<semaphore_mem>> -> memref<1x!tpu.dma_semaphore, #tpu.memory_space<semaphore_mem>>
        %dma_start3A_322 = tpu.memref_squeeze %dma_start3A_321 : memref<1x!tpu.dma_semaphore, #tpu.memory_space<semaphore_mem>> -> memref<!tpu.dma_semaphore, #tpu.memory_space<semaphore_mem>>
        tpu.enqueue_indirect_dma source(%dma_start3A_320 : memref<100000x128xf32, #tpu.memory_space<hbm>>) target(%dma_start3A_316 : memref<200x128xf32, #tpu.memory_space<vmem>>) offsets(%dma_start3A_317 : memref<200xi32, #tpu.memory_space<vmem>>) semaphore(%dma_start3A_322 : memref<!tpu.dma_semaphore, #tpu.memory_space<semaphore_mem>>)
      } else {
      }
      %add3A_250 = arith.constant 3 : i32
      %add3A_251 = arith.addi %add3A_129, %add3A_250 : i32
      %dma_wait3A_252 = arith.constant 3 : i32
      %dma_wait3A_253 = arith.constant 3 : i32
      %dma_wait3A_254 = arith.constant 0 : i32
      %dma_wait3A_255 = arith.constant 0 : i32
      %dma_wait3A_256 = tpu.memref_slice %arg6[%dma_wait3A_252, %dma_wait3A_254, %dma_wait3A_255] : memref<4x200x128xf32, #tpu.memory_space<vmem>> -> memref<1x200x128xf32, #tpu.memory_space<vmem>>
      %dma_wait3A_257 = tpu.memref_squeeze %dma_wait3A_256 : memref<1x200x128xf32, #tpu.memory_space<vmem>> -> memref<200x128xf32, #tpu.memory_space<vmem>>
      %dma_wait3A_258 = arith.constant 0 : i32
      %dma_wait3A_259 = tpu.memref_slice %arg5[%dma_wait3A_258] : memref<25600xi32, #tpu.memory_space<vmem>> -> memref<200xi32, #tpu.memory_space<vmem>>
      %dma_wait3A_260 = arith.constant 0 : i32
      %dma_wait3A_261 = arith.constant 0 : i32
      %dma_wait3A_262 = tpu.memref_slice %arg2[%dma_wait3A_260, %dma_wait3A_261] : memref<100000x128xf32, #tpu.memory_space<hbm>> -> memref<100000x128xf32, #tpu.memory_space<hbm>>
      %dma_wait3A_263 = tpu.memref_slice %arg8[%dma_wait3A_253] : memref<4x!tpu.dma_semaphore, #tpu.memory_space<semaphore_mem>> -> memref<1x!tpu.dma_semaphore, #tpu.memory_space<semaphore_mem>>
      %dma_wait3A_264 = tpu.memref_squeeze %dma_wait3A_263 : memref<1x!tpu.dma_semaphore, #tpu.memory_space<semaphore_mem>> -> memref<!tpu.dma_semaphore, #tpu.memory_space<semaphore_mem>>
      tpu.wait_indirect_dma semaphore(%dma_wait3A_264 : memref<!tpu.dma_semaphore, #tpu.memory_space<semaphore_mem>>) src(%dma_wait3A_262 : memref<100000x128xf32, #tpu.memory_space<hbm>>) dst(%dma_wait3A_257 : memref<200x128xf32, #tpu.memory_space<vmem>>)
      %mul3A_265 = arith.constant 200 : i32
      %mul3A_266 = arith.muli %add3A_251, %mul3A_265 : i32
      %add3A_267 = arith.addi %mul3A_2, %mul3A_266 : i32
      %dma_start3A_268 = arith.constant 3 : i32
      %dma_start3A_269 = arith.constant 3 : i32
      %dma_start3A_270 = arith.constant 0 : i32
      %dma_start3A_271 = arith.constant 0 : i32
      %dma_start3A_272 = tpu.memref_slice %arg6[%dma_start3A_268, %dma_start3A_270, %dma_start3A_271] : memref<4x200x128xf32, #tpu.memory_space<vmem>> -> memref<1x200x128xf32, #tpu.memory_space<vmem>>
      %dma_start3A_273 = tpu.memref_squeeze %dma_start3A_272 : memref<1x200x128xf32, #tpu.memory_space<vmem>> -> memref<200x128xf32, #tpu.memory_space<vmem>>
      %dma_start3A_274 = arith.constant 0 : i32
      %dma_start3A_275 = tpu.memref_slice %arg4[%add3A_267, %dma_start3A_274] : memref<819200x128xf32, #tpu.memory_space<hbm>> -> memref<200x128xf32, #tpu.memory_space<hbm>>
      %dma_start3A_276 = tpu.memref_slice %arg9[%dma_start3A_269] : memref<4x!tpu.dma_semaphore, #tpu.memory_space<semaphore_mem>> -> memref<1x!tpu.dma_semaphore, #tpu.memory_space<semaphore_mem>>
      %dma_start3A_277 = tpu.memref_squeeze %dma_start3A_276 : memref<1x!tpu.dma_semaphore, #tpu.memory_space<semaphore_mem>> -> memref<!tpu.dma_semaphore, #tpu.memory_space<semaphore_mem>>
      %dma_start3A_278 = arith.constant 0 : i32
      %dma_start3A_279 = tpu.memref_slice %arg4[%add3A_267, %dma_start3A_278] : memref<819200x128xf32, #tpu.memory_space<hbm>> -> memref<200x128xf32, #tpu.memory_space<hbm>>
      %dma_start3A_280 = arith.constant 0 : i32
      %dma_start3A_281 = arith.constant 0 : i32
      %dma_start3A_282 = tpu.memref_slice %arg6[%dma_start3A_268, %dma_start3A_280, %dma_start3A_281] : memref<4x200x128xf32, #tpu.memory_space<vmem>> -> memref<1x200x128xf32, #tpu.memory_space<vmem>>
      %dma_start3A_283 = tpu.memref_squeeze %dma_start3A_282 : memref<1x200x128xf32, #tpu.memory_space<vmem>> -> memref<200x128xf32, #tpu.memory_space<vmem>>
      tpu.enqueue_dma source(%dma_start3A_283 : memref<200x128xf32, #tpu.memory_space<vmem>>) target(%dma_start3A_279 : memref<200x128xf32, #tpu.memory_space<hbm>>) target_semaphore(%dma_start3A_277 : memref<!tpu.dma_semaphore, #tpu.memory_space<semaphore_mem>>)
      %add3A_284 = arith.constant 4 : i32
      %add3A_285 = arith.addi %add3A_251, %add3A_284 : i32
      %lt3A_286 = arith.constant 128 : i32
      %lt3A_287 = arith.cmpi slt, %add3A_285, %lt3A_286 : i32
      %convert_element_type3A_288 = arith.extui %lt3A_287 : i1 to i32
      %cond3A_289 = arith.constant 0 : i32
      %cond3A_290 = arith.cmpi ne, %convert_element_type3A_288, %cond3A_289 : i32
      scf.if %cond3A_290 {
        %dma_wait3A_291 = arith.constant 3 : i32
        %dma_wait3A_292 = arith.constant 3 : i32
        %dma_wait3A_293 = arith.constant 0 : i32
        %dma_wait3A_294 = arith.constant 0 : i32
        %dma_wait3A_295 = tpu.memref_slice %arg6[%dma_wait3A_291, %dma_wait3A_293, %dma_wait3A_294] : memref<4x200x128xf32, #tpu.memory_space<vmem>> -> memref<1x200x128xf32, #tpu.memory_space<vmem>>
        %dma_wait3A_296 = tpu.memref_squeeze %dma_wait3A_295 : memref<1x200x128xf32, #tpu.memory_space<vmem>> -> memref<200x128xf32, #tpu.memory_space<vmem>>
        %dma_wait3A_297 = arith.constant 0 : i32
        %dma_wait3A_298 = tpu.memref_slice %arg4[%mul3A_2, %dma_wait3A_297] : memref<819200x128xf32, #tpu.memory_space<hbm>> -> memref<200x128xf32, #tpu.memory_space<hbm>>
        %dma_wait3A_299 = tpu.memref_slice %arg9[%dma_wait3A_292] : memref<4x!tpu.dma_semaphore, #tpu.memory_space<semaphore_mem>> -> memref<1x!tpu.dma_semaphore, #tpu.memory_space<semaphore_mem>>
        %dma_wait3A_300 = tpu.memref_squeeze %dma_wait3A_299 : memref<1x!tpu.dma_semaphore, #tpu.memory_space<semaphore_mem>> -> memref<!tpu.dma_semaphore, #tpu.memory_space<semaphore_mem>>
        %dma_wait3A_301 = arith.constant 0 : i32
        %dma_wait3A_302 = tpu.memref_slice %arg4[%mul3A_2, %dma_wait3A_301] : memref<819200x128xf32, #tpu.memory_space<hbm>> -> memref<200x128xf32, #tpu.memory_space<hbm>>
        %dma_wait3A_303 = arith.constant 0 : i32
        %dma_wait3A_304 = arith.constant 0 : i32
        %dma_wait3A_305 = tpu.memref_slice %arg6[%dma_wait3A_291, %dma_wait3A_303, %dma_wait3A_304] : memref<4x200x128xf32, #tpu.memory_space<vmem>> -> memref<1x200x128xf32, #tpu.memory_space<vmem>>
        %dma_wait3A_306 = tpu.memref_squeeze %dma_wait3A_305 : memref<1x200x128xf32, #tpu.memory_space<vmem>> -> memref<200x128xf32, #tpu.memory_space<vmem>>
        tpu.wait_dma2 semaphore(%dma_wait3A_300 : memref<!tpu.dma_semaphore, #tpu.memory_space<semaphore_mem>>) src(%dma_wait3A_306 : memref<200x128xf32, #tpu.memory_space<vmem>>) dst(%dma_wait3A_302 : memref<200x128xf32, #tpu.memory_space<hbm>>)
        %add3A_307 = arith.constant 4 : i32
        %add3A_308 = arith.addi %add3A_251, %add3A_307 : i32
        %mul3A_309 = arith.constant 200 : i32
        %mul3A_310 = arith.muli %add3A_308, %mul3A_309 : i32
        %dma_start3A_311 = arith.constant 3 : i32
        %dma_start3A_312 = arith.constant 3 : i32
        %dma_start3A_313 = arith.constant 0 : i32
        %dma_start3A_314 = arith.constant 0 : i32
        %dma_start3A_315 = tpu.memref_slice %arg6[%dma_start3A_311, %dma_start3A_313, %dma_start3A_314] : memref<4x200x128xf32, #tpu.memory_space<vmem>> -> memref<1x200x128xf32, #tpu.memory_space<vmem>>
        %dma_start3A_316 = tpu.memref_squeeze %dma_start3A_315 : memref<1x200x128xf32, #tpu.memory_space<vmem>> -> memref<200x128xf32, #tpu.memory_space<vmem>>
        %dma_start3A_317 = tpu.memref_slice %arg5[%mul3A_310] : memref<25600xi32, #tpu.memory_space<vmem>> -> memref<200xi32, #tpu.memory_space<vmem>>
        %dma_start3A_318 = arith.constant 0 : i32
        %dma_start3A_319 = arith.constant 0 : i32
        %dma_start3A_320 = tpu.memref_slice %arg2[%dma_start3A_318, %dma_start3A_319] : memref<100000x128xf32, #tpu.memory_space<hbm>> -> memref<100000x128xf32, #tpu.memory_space<hbm>>
        %dma_start3A_321 = tpu.memref_slice %arg8[%dma_start3A_312] : memref<4x!tpu.dma_semaphore, #tpu.memory_space<semaphore_mem>> -> memref<1x!tpu.dma_semaphore, #tpu.memory_space<semaphore_mem>>
        %dma_start3A_322 = tpu.memref_squeeze %dma_start3A_321 : memref<1x!tpu.dma_semaphore, #tpu.memory_space<semaphore_mem>> -> memref<!tpu.dma_semaphore, #tpu.memory_space<semaphore_mem>>
        tpu.enqueue_indirect_dma source(%dma_start3A_320 : memref<100000x128xf32, #tpu.memory_space<hbm>>) target(%dma_start3A_316 : memref<200x128xf32, #tpu.memory_space<vmem>>) offsets(%dma_start3A_317 : memref<200xi32, #tpu.memory_space<vmem>>) semaphore(%dma_start3A_322 : memref<!tpu.dma_semaphore, #tpu.memory_space<semaphore_mem>>)
      } else {
      }
    }
    %scan3A_60 = arith.constant 32 : i32
    %dma_wait3A_61 = arith.constant 0 : i32
    %dma_wait3A_62 = arith.constant 0 : i32
    %dma_wait3A_63 = arith.constant 0 : i32
    %dma_wait3A_64 = arith.constant 0 : i32
    %dma_wait3A_65 = tpu.memref_slice %arg6[%dma_wait3A_61, %dma_wait3A_63, %dma_wait3A_64] : memref<4x200x128xf32, #tpu.memory_space<vmem>> -> memref<1x200x128xf32, #tpu.memory_space<vmem>>
    %dma_wait3A_66 = tpu.memref_squeeze %dma_wait3A_65 : memref<1x200x128xf32, #tpu.memory_space<vmem>> -> memref<200x128xf32, #tpu.memory_space<vmem>>
    %dma_wait3A_67 = arith.constant 0 : i32
    %dma_wait3A_68 = tpu.memref_slice %arg4[%mul3A_2, %dma_wait3A_67] : memref<819200x128xf32, #tpu.memory_space<hbm>> -> memref<200x128xf32, #tpu.memory_space<hbm>>
    %dma_wait3A_69 = tpu.memref_slice %arg9[%dma_wait3A_62] : memref<4x!tpu.dma_semaphore, #tpu.memory_space<semaphore_mem>> -> memref<1x!tpu.dma_semaphore, #tpu.memory_space<semaphore_mem>>
    %dma_wait3A_70 = tpu.memref_squeeze %dma_wait3A_69 : memref<1x!tpu.dma_semaphore, #tpu.memory_space<semaphore_mem>> -> memref<!tpu.dma_semaphore, #tpu.memory_space<semaphore_mem>>
    %dma_wait3A_71 = arith.constant 0 : i32
    %dma_wait3A_72 = tpu.memref_slice %arg4[%mul3A_2, %dma_wait3A_71] : memref<819200x128xf32, #tpu.memory_space<hbm>> -> memref<200x128xf32, #tpu.memory_space<hbm>>
    %dma_wait3A_73 = arith.constant 0 : i32
    %dma_wait3A_74 = arith.constant 0 : i32
    %dma_wait3A_75 = tpu.memref_slice %arg6[%dma_wait3A_61, %dma_wait3A_73, %dma_wait3A_74] : memref<4x200x128xf32, #tpu.memory_space<vmem>> -> memref<1x200x128xf32, #tpu.memory_space<vmem>>
    %dma_wait3A_76 = tpu.memref_squeeze %dma_wait3A_75 : memref<1x200x128xf32, #tpu.memory_space<vmem>> -> memref<200x128xf32, #tpu.memory_space<vmem>>
    tpu.wait_dma2 semaphore(%dma_wait3A_70 : memref<!tpu.dma_semaphore, #tpu.memory_space<semaphore_mem>>) src(%dma_wait3A_76 : memref<200x128xf32, #tpu.memory_space<vmem>>) dst(%dma_wait3A_72 : memref<200x128xf32, #tpu.memory_space<hbm>>)
    %dma_wait3A_77 = arith.constant 1 : i32
    %dma_wait3A_78 = arith.constant 1 : i32
    %dma_wait3A_79 = arith.constant 0 : i32
    %dma_wait3A_80 = arith.constant 0 : i32
    %dma_wait3A_81 = tpu.memref_slice %arg6[%dma_wait3A_77, %dma_wait3A_79, %dma_wait3A_80] : memref<4x200x128xf32, #tpu.memory_space<vmem>> -> memref<1x200x128xf32, #tpu.memory_space<vmem>>
    %dma_wait3A_82 = tpu.memref_squeeze %dma_wait3A_81 : memref<1x200x128xf32, #tpu.memory_space<vmem>> -> memref<200x128xf32, #tpu.memory_space<vmem>>
    %dma_wait3A_83 = arith.constant 0 : i32
    %dma_wait3A_84 = tpu.memref_slice %arg4[%mul3A_2, %dma_wait3A_83] : memref<819200x128xf32, #tpu.memory_space<hbm>> -> memref<200x128xf32, #tpu.memory_space<hbm>>
    %dma_wait3A_85 = tpu.memref_slice %arg9[%dma_wait3A_78] : memref<4x!tpu.dma_semaphore, #tpu.memory_space<semaphore_mem>> -> memref<1x!tpu.dma_semaphore, #tpu.memory_space<semaphore_mem>>
    %dma_wait3A_86 = tpu.memref_squeeze %dma_wait3A_85 : memref<1x!tpu.dma_semaphore, #tpu.memory_space<semaphore_mem>> -> memref<!tpu.dma_semaphore, #tpu.memory_space<semaphore_mem>>
    %dma_wait3A_87 = arith.constant 0 : i32
    %dma_wait3A_88 = tpu.memref_slice %arg4[%mul3A_2, %dma_wait3A_87] : memref<819200x128xf32, #tpu.memory_space<hbm>> -> memref<200x128xf32, #tpu.memory_space<hbm>>
    %dma_wait3A_89 = arith.constant 0 : i32
    %dma_wait3A_90 = arith.constant 0 : i32
    %dma_wait3A_91 = tpu.memref_slice %arg6[%dma_wait3A_77, %dma_wait3A_89, %dma_wait3A_90] : memref<4x200x128xf32, #tpu.memory_space<vmem>> -> memref<1x200x128xf32, #tpu.memory_space<vmem>>
    %dma_wait3A_92 = tpu.memref_squeeze %dma_wait3A_91 : memref<1x200x128xf32, #tpu.memory_space<vmem>> -> memref<200x128xf32, #tpu.memory_space<vmem>>
    tpu.wait_dma2 semaphore(%dma_wait3A_86 : memref<!tpu.dma_semaphore, #tpu.memory_space<semaphore_mem>>) src(%dma_wait3A_92 : memref<200x128xf32, #tpu.memory_space<vmem>>) dst(%dma_wait3A_88 : memref<200x128xf32, #tpu.memory_space<hbm>>)
    %dma_wait3A_93 = arith.constant 2 : i32
    %dma_wait3A_94 = arith.constant 2 : i32
    %dma_wait3A_95 = arith.constant 0 : i32
    %dma_wait3A_96 = arith.constant 0 : i32
    %dma_wait3A_97 = tpu.memref_slice %arg6[%dma_wait3A_93, %dma_wait3A_95, %dma_wait3A_96] : memref<4x200x128xf32, #tpu.memory_space<vmem>> -> memref<1x200x128xf32, #tpu.memory_space<vmem>>
    %dma_wait3A_98 = tpu.memref_squeeze %dma_wait3A_97 : memref<1x200x128xf32, #tpu.memory_space<vmem>> -> memref<200x128xf32, #tpu.memory_space<vmem>>
    %dma_wait3A_99 = arith.constant 0 : i32
    %dma_wait3A_100 = tpu.memref_slice %arg4[%mul3A_2, %dma_wait3A_99] : memref<819200x128xf32, #tpu.memory_space<hbm>> -> memref<200x128xf32, #tpu.memory_space<hbm>>
    %dma_wait3A_101 = tpu.memref_slice %arg9[%dma_wait3A_94] : memref<4x!tpu.dma_semaphore, #tpu.memory_space<semaphore_mem>> -> memref<1x!tpu.dma_semaphore, #tpu.memory_space<semaphore_mem>>
    %dma_wait3A_102 = tpu.memref_squeeze %dma_wait3A_101 : memref<1x!tpu.dma_semaphore, #tpu.memory_space<semaphore_mem>> -> memref<!tpu.dma_semaphore, #tpu.memory_space<semaphore_mem>>
    %dma_wait3A_103 = arith.constant 0 : i32
    %dma_wait3A_104 = tpu.memref_slice %arg4[%mul3A_2, %dma_wait3A_103] : memref<819200x128xf32, #tpu.memory_space<hbm>> -> memref<200x128xf32, #tpu.memory_space<hbm>>
    %dma_wait3A_105 = arith.constant 0 : i32
    %dma_wait3A_106 = arith.constant 0 : i32
    %dma_wait3A_107 = tpu.memref_slice %arg6[%dma_wait3A_93, %dma_wait3A_105, %dma_wait3A_106] : memref<4x200x128xf32, #tpu.memory_space<vmem>> -> memref<1x200x128xf32, #tpu.memory_space<vmem>>
    %dma_wait3A_108 = tpu.memref_squeeze %dma_wait3A_107 : memref<1x200x128xf32, #tpu.memory_space<vmem>> -> memref<200x128xf32, #tpu.memory_space<vmem>>
    tpu.wait_dma2 semaphore(%dma_wait3A_102 : memref<!tpu.dma_semaphore, #tpu.memory_space<semaphore_mem>>) src(%dma_wait3A_108 : memref<200x128xf32, #tpu.memory_space<vmem>>) dst(%dma_wait3A_104 : memref<200x128xf32, #tpu.memory_space<hbm>>)
    %dma_wait3A_109 = arith.constant 3 : i32
    %dma_wait3A_110 = arith.constant 3 : i32
    %dma_wait3A_111 = arith.constant 0 : i32
    %dma_wait3A_112 = arith.constant 0 : i32
    %dma_wait3A_113 = tpu.memref_slice %arg6[%dma_wait3A_109, %dma_wait3A_111, %dma_wait3A_112] : memref<4x200x128xf32, #tpu.memory_space<vmem>> -> memref<1x200x128xf32, #tpu.memory_space<vmem>>
    %dma_wait3A_114 = tpu.memref_squeeze %dma_wait3A_113 : memref<1x200x128xf32, #tpu.memory_space<vmem>> -> memref<200x128xf32, #tpu.memory_space<vmem>>
    %dma_wait3A_115 = arith.constant 0 : i32
    %dma_wait3A_116 = tpu.memref_slice %arg4[%mul3A_2, %dma_wait3A_115] : memref<819200x128xf32, #tpu.memory_space<hbm>> -> memref<200x128xf32, #tpu.memory_space<hbm>>
    %dma_wait3A_117 = tpu.memref_slice %arg9[%dma_wait3A_110] : memref<4x!tpu.dma_semaphore, #tpu.memory_space<semaphore_mem>> -> memref<1x!tpu.dma_semaphore, #tpu.memory_space<semaphore_mem>>
    %dma_wait3A_118 = tpu.memref_squeeze %dma_wait3A_117 : memref<1x!tpu.dma_semaphore, #tpu.memory_space<semaphore_mem>> -> memref<!tpu.dma_semaphore, #tpu.memory_space<semaphore_mem>>
    %dma_wait3A_119 = arith.constant 0 : i32
    %dma_wait3A_120 = tpu.memref_slice %arg4[%mul3A_2, %dma_wait3A_119] : memref<819200x128xf32, #tpu.memory_space<hbm>> -> memref<200x128xf32, #tpu.memory_space<hbm>>
    %dma_wait3A_121 = arith.constant 0 : i32
    %dma_wait3A_122 = arith.constant 0 : i32
    %dma_wait3A_123 = tpu.memref_slice %arg6[%dma_wait3A_109, %dma_wait3A_121, %dma_wait3A_122] : memref<4x200x128xf32, #tpu.memory_space<vmem>> -> memref<1x200x128xf32, #tpu.memory_space<vmem>>
    %dma_wait3A_124 = tpu.memref_squeeze %dma_wait3A_123 : memref<1x200x128xf32, #tpu.memory_space<vmem>> -> memref<200x128xf32, #tpu.memory_space<vmem>>
    tpu.wait_dma2 semaphore(%dma_wait3A_118 : memref<!tpu.dma_semaphore, #tpu.memory_space<semaphore_mem>>) src(%dma_wait3A_124 : memref<200x128xf32, #tpu.memory_space<vmem>>) dst(%dma_wait3A_120 : memref<200x128xf32, #tpu.memory_space<hbm>>)
    return
  }
}

</mosaic_0001>

<sc_bundles>
// kernel: gather.3.cloned.1.call-start
scs
__scs_entry_jumppad:
0x0: {  	(pc) =	sbr.rel $0x88, $3  }
0x1: {  	(tag) =	ssettag $0x0;
	lr =	simm.s32 $0x1  }
0x2: {  	[smem:$0x3F9F] =	sst lr;
	_ =	strace $0xD0000000  }
0x3: {  	_ = 	snop  }
0x4: {  	_ = 	snop  }
0x5: {  	_ = 	snop  }
0x6: {  	_ = 	snop  }
0x7: {  	_ = 	snop  }
__scs_overlays_trampoline_lowered:
0x8: {  	[smem:$0x3FAE] =	sst s0  }
0x9: {  	[smem:$0x3FAF] =	sst s1  }
0xa: {  	[smem:$0x3FB0] =	sst s2  }
0xb: {  	[smem:$0x3FB1] =	sst s3  }
0xc: {  	[smem:$0x3FB2] =	sst s4  }
0xd: {  	[smem:$0x3FB3] =	sst s5  }
0xe: {  	[smem:$0x3FB4] =	sst s6  }
0xf: {  	[smem:$0x3FB5] =	sst s7  }
0x10: {  	[smem:$0x3FB6] =	sst s8  }
0x11: {  	[smem:$0x3FB7] =	sst s9;
	s0 =	simm.s32 @!p0 $0x0  }
0x12: {  	s1 =	sld [smem:$0x3F9D];
	s0 =	simm.s32 @p0 $0x1  }
0x13: {  	[smem:$0x3FB8] =	sst s0;
	s0 =	simm.s32 @!p1 $0x0  }
0x14: {  	s2 =	sld [smem:$0x3F9C];
	s0 =	simm.s32 @p1 $0x1  }
0x15: {  	[smem:$0x3FB9] =	sst s0;
	s0 =	simm.s32 @!p2 $0x0  }
0x16: {  	s3 =	sld [smem:$0x3FDB];
	s0 =	simm.s32 @p2 $0x1  }
0x17: {  	s4 =	simm.s32 $0x1BF5;
	[smem:$0x3FBB] =	sst s0  }
0x18: {  	s0 =	sld [smem:$0x3F9E];
	_ =	swait.ge [sflag:s4], $0x0  }
0x19: {  	s7 =	sld [smem:$0x3F9F]  }
0x1a: {  	s8 =	sadd.s32 $0xFFFFE003, lr  }
0x1b: {  	s9 =	sadd.s32 $0xFFFFFEF7, lr;
	s5 =	simm.s32 $0xFFFFFFFF;
	p2 =	slt.u32 s8, $0xFFFFF086  }
0x1c: {  	p1 =	slt.u32 s9, $0xF7A;
	s5 =	simm.s32 @!p2 $0x0  }
0x1d: {  	s5 =	simm.s32 @p1 $0x1;
	p0 =	seq.s32 s7, s2  }
0x1e: {  	s7 =	smul.u32 @!p0 $0xF7A, s2;
	p2 =	seq.s32 @!p0 s5, $0x0  }
0x1f: {  	s9 =	smul.u32 $0xF7A, s1;
	s8 =	simm.s32 @!p0 $0x1BF5;
	p2 =	por !p2, p0  }
0x20: {  	[sflag:s8] =	ssyncset.s32 @!p0 $0xFFFFF086;
	s6 =	sadd.s32 @!p0 s3, s7;
	s7 =	simm.s32 @!p0 $0x108  }
0x21: {  	s3 =	sadd.s32 s3, s9;
	s6 =	sadd.s32 @!p0 $0x88, s6;
	s7 =	simm.s32 @p2 $0x1082  }
0x22: {  	[simem:s7], [sflag:s8] =	dma.local @!p0 [hbm:s6], $0xF7A  }
0x23: {  	s9 =	sor.u32 $0xD0000000, s2;
	s6 =	simm.s32 $0x108;
	_ =	swait.ge @!p0 [sflag:s8], $0x0  }
0x24: {  	s3 =	sadd.s32 $0x88, s3;
	s6 =	simm.s32 @!p1 $0x1082;
	[sflag:s4] =	ssyncset.s32 $0xFFFFF086  }
0x25: {  	[simem:s6], [sflag:s4] =	dma.local [hbm:s3], $0xF7A  }
0x26: {  	[smem:$0x3F9F] =	sst s1;
	(tag) =	ssettag s2;
	_ =	strace s9  }
0x27: {  	s1 =	sld [smem:$0x3FAF]  }
0x28: {  	s2 =	sld [smem:$0x3FB0]  }
0x29: {  	s4 =	sld [smem:$0x3FB2]  }
0x2a: {  	p0 =	seq.s32 s5, $0x0;
	s5 =	sld [smem:$0x3FB3]  }
0x2b: {  	s6 =	sld [smem:$0x3FB4]  }
0x2c: {  	s7 =	sld [smem:$0x3FB5]  }
0x2d: {  	s3 =	simm.s32 $0x108;
	s8 =	sld [smem:$0x3FB6]  }
0x2e: {  	s3 =	simm.s32 @!p0 $0x1082;
	s9 =	sld [smem:$0x3FB7]  }
0x2f: {  	lr =	sadd.s32 s0, s3;
	s0 =	sld [smem:$0x3FAE]  }
0x30: {  	s3 =	sld [smem:$0x3FB1]  }
0x31: {  	[smem:$0x3FBA] =	sst s10  }
0x32: {  	s10 =	sld [smem:$0x3FB8];
	_ =	sdelay $0x3  }
0x33: {  	p0 =	seq.s32 s10, $0x1;
	s10 =	sld [smem:$0x3FBA];
	_ =	sdelay $0x3  }
0x34: {  	[smem:$0x3FBA] =	sst s10  }
0x35: {  	s10 =	sld [smem:$0x3FB9];
	_ =	sdelay $0x3  }
0x36: {  	p1 =	seq.s32 s10, $0x1;
	s10 =	sld [smem:$0x3FBA];
	_ =	sdelay $0x3  }
0x37: {  	[smem:$0x3FBA] =	sst s10  }
0x38: {  	s10 =	sld [smem:$0x3FBB]  }
0x39: {  	_ = 	snop;
	(pc) =	sbr.ind lr, $3  }
0x3a: {  	_ = 	snop  }
0x3b: {  	_ = 	snop  }
0x3c: {  	p2 =	seq.s32 s10, $0x1;
	s10 =	sld [smem:$0x3FBA]  }
0x3d: {  	_ =	shalt  }
0x3e: {  	_ =	shalt  }
0x3f: {  	_ =	shalt  }
0x40: {  	_ =	shalt  }
0x41: {  	_ =	shalt  }
0x42: {  	_ =	shalt  }
0x43: {  	_ =	shalt  }
0x44: {  	_ =	shalt  }
0x45: {  	_ =	shalt  }
0x46: {  	_ =	shalt  }
0x47: {  	_ =	shalt  }
0x48: {  	_ =	shalt  }
0x49: {  	_ =	shalt  }
0x4a: {  	_ =	shalt  }
0x4b: {  	_ =	shalt  }
0x4c: {  	_ =	shalt  }
0x4d: {  	_ =	shalt  }
0x4e: {  	_ =	shalt  }
0x4f: {  	_ =	shalt  }
0x50: {  	_ =	shalt  }
0x51: {  	_ =	shalt  }
0x52: {  	_ =	shalt  }
0x53: {  	_ =	shalt  }
0x54: {  	_ =	shalt  }
0x55: {  	_ =	shalt  }
0x56: {  	_ =	shalt  }
0x57: {  	_ =	shalt  }
0x58: {  	_ =	shalt  }
0x59: {  	_ =	shalt  }
0x5a: {  	_ =	shalt  }
0x5b: {  	_ =	shalt  }
0x5c: {  	_ =	shalt  }
0x5d: {  	_ =	shalt  }
0x5e: {  	_ =	shalt  }
0x5f: {  	_ =	shalt  }
0x60: {  	_ =	shalt  }
0x61: {  	_ =	shalt  }
0x62: {  	_ =	shalt  }
0x63: {  	_ =	shalt  }
0x64: {  	_ =	shalt  }
0x65: {  	_ =	shalt  }
0x66: {  	_ =	shalt  }
0x67: {  	_ =	shalt  }
0x68: {  	_ =	shalt  }
0x69: {  	_ =	shalt  }
0x6a: {  	_ =	shalt  }
0x6b: {  	_ =	shalt  }
0x6c: {  	_ =	shalt  }
0x6d: {  	_ =	shalt  }
0x6e: {  	_ =	shalt  }
0x6f: {  	_ =	shalt  }
0x70: {  	_ =	shalt  }
0x71: {  	_ =	shalt  }
0x72: {  	_ =	shalt  }
0x73: {  	_ =	shalt  }
0x74: {  	_ =	shalt  }
0x75: {  	_ =	shalt  }
0x76: {  	_ =	shalt  }
0x77: {  	_ =	shalt  }
0x78: {  	_ =	shalt  }
0x79: {  	_ =	shalt  }
0x7a: {  	_ =	shalt  }
0x7b: {  	_ =	shalt  }
0x7c: {  	_ =	shalt  }
0x7d: {  	_ =	shalt  }
0x7e: {  	_ =	shalt  }
0x7f: {  	_ =	shalt  }
0x80: {  	_ =	shalt  }
0x81: {  	_ =	shalt  }
0x82: {  	_ =	shalt  }
0x83: {  	_ =	shalt  }
0x84: {  	_ =	shalt  }
0x85: {  	_ =	shalt  }
0x86: {  	_ =	shalt  }
0x87: {  	_ =	shalt  }
.Lfunc_end0:
.L_simem_size_0:
called_computation_lowered:
.L_overlay_start_0:
0x88: {  	s2 =	sld [smem:$0x3FD9]  }
0x89: {  	s3 =	sld [smem:$0x3FFE];
	_ =	sdelay $0x1  }
0x8a: {  	s1 =	srdreg.scid  }
0x8b: {  	s0 =	sand.u32 $0x1, s1  }
0x8c: {  	s18 =	sshll.u32 s0, $0xA;
	s2 =	sadd.s32 s3, s2  }
0x8d: {  	s2 =	sadd.s32 s2, s18  }
0x8e: {  	[smem:$0x3FC6] =	sst s2  }
0x8f: {  	_ = 	snop  }
0x90: {  	s2 =	sld [smem:$0x3FC9]  }
0x91: {  	s19 =	sld [smem:$0x3FC8]  }
0x92: {  	s4 =	sld [smem:$0x3FD0];
	(tm) =	ssettm $0x1  }
0x93: {  	s5 =	sld [smem:$0x3FFB];
	_ =	sdelay $0x3  }
0x94: {  	_ =	strace s5  }
0x95: {  	s5 =	sld [smem:$0x3FFC];
	_ =	sdelay $0x3  }
0x96: {  	_ =	strace s5  }
0x97: {  	s5 =	sld [smem:$0x3FFD];
	_ =	sdelay $0x3  }
0x98: {  	_ =	strace s5  }
0x99: {  	_ =	strace $0x8FFFFFFF  }
0x9a: {  	s20 =	sld [smem:$0x3FDB];
	_ =	sdelay $0x1  }
0x9b: {  	s6 =	simm.s32 $_scs_section_size  }
0x9c: {  	s7 =	simm.s32 $_size__tile_overlayer_lowered;
	s8 =	simm.s32 $_tile_overlayer_lowered  }
0x9d: {  	s23 =	simm.s32 $0x1BFF;
	s22 =	sshll.u32 s8, $0x1;
	s5 =	sadd.s32 s6, s20  }
0x9e: {  	s9 =	simm.s32 $0x0;
	s21 =	sshll.u32 s7, $0x1;
	s7 =	sadd.s32 s22, s5  }
0x9f: {  	[timem:s9], [sflag:s23] =	dma.local [hbm:s7], s21  }
0xa0: {  	_ =	swait.ge [sflag:s23], s21  }
0xa1: {  	s6 =	ssub.s32 $0x0, s21;
	[sflag:s23] =	ssyncset.done $0x0  }
0xa2: {  	[sflag:s23] =	ssyncadd.s32 s6;
	_ =	sdelay $0x1  }
0xa3: {  	s24 =	simm.s32 $0x1B8B  }
0xa4: {  	_ =	swait.ge [sflag:s24], $0x1  }
0xa5: {  	[sflag:s24] =	ssyncset.done $0x0  }
0xa6: {  	s25 =	simm.s32 $0x1B8E;
	[sflag:s24] =	ssyncadd.s32 $0xFFFFFFFF  }
0xa7: {  	s26 =	simm.s32 $execute0_lowered;
	[smem:$0x3FD2] =	sst s25  }
0xa8: {  	s6 =	sshll.u32 s26, $0x1;
	_ =	strace $0x80000046;
	[dreg:$0x1] =	wrdreg $0xFFFFFFFF  }
0xa9: {  	s28 =	simm.s32 $_size_execute0_lowered;
	s5 =	sadd.s32 s5, s6;
	[dreg:$0x0] =	wrdreg $0x0  }
0xaa: {  	s6 =	sshll.u32 s28, $0x1;
	[dreg:$0x2] =	wrdreg s5  }
0xab: {  	[dreg:$0x3] =	wrdreg s6  }
0xac: {  	[dreg:$0x4] =	wrdreg $0xC0  }
0xad: {  	_ =	task [dreg:s9], $0x5FFFF  }
0xae: {  	[dreg:$0x1] =	wrdreg $0xFFFFFFFF  }
0xaf: {  	[dreg:$0x0] =	wrdreg $0x60  }
0xb0: {  	[dreg:$0x2] =	wrdreg s2  }
0xb1: {  	[dreg:$0x3] =	wrdreg s19  }
0xb2: {  	[dreg:$0x4] =	wrdreg s4  }
0xb3: {  	[dreg:$0x5] =	wrdreg $0x9  }
0xb4: {  	_ =	task.clear_ibuf [dreg:s9], $0x6FFFF;
	_ =	strace $0x90000046  }
0xb5: {  	s29 =	simm.s32 $0x9;
	_ =	strace $0x80000048  }
0xb6: {  	_ =	swait.ge [sflag:s29], $0x1  }
0xb7: {  	[sflag:s29] =	ssyncadd.s32 $0xFFFFFFFF  }
0xb8: {  	_ =	strace $0x90000048  }
0xb9: {  	_ =	sfence  }
0xba: {  	s30 =	sld [smem:$0x0];
	_ =	sdelay $0x2  }
0xbb: {  	s31 =	sshll.u32 s1, $0xD;
	s1 =	sshrl.u32 s1, $0x2  }
0xbc: {  	s3 =	sand.u32 $0x4000, s31;
	s1 =	sadd.s32 s1, s30  }
0xbd: {  	s0 =	sor.u32 s3, s0;
	s1 =	sshll.u32 s1, $0x11  }
0xbe: {  	s0 =	sor.u32 s1, s0  }
0xbf: {  	s0 =	sadd.s32 $0x8F2B, s0  }
0xc0: {  	[sflag:s0] =	ssyncadd.remote.s32 $0x1  }
0xc1: {  	_ =	sfence.sel $0xFFFF  }
0xc2: {  	[dreg:$0x0] =	wrdreg $0xFFFFFFFF;
	(pc) =	sbr.abs _section_cstart, $3  }
0xc3: {  	[dreg:$0x1] =	wrdreg $0xFFFFFFFF  }
0xc4: {  	_ =	task.clear_ibuf [dreg:s9], $0x2FFFF;
	_ =	strace $0x9FFFFFFF  }
0xc5: {  	(tm) =	ssettm $0x7FFFFFFF  }
tec
execute0_lowered:
.L_overlay_start_1:
0x0: {  	(tag) =	ssettag $0x1  }
0x1: {  	s1 =	rddreg [dreg:$0x0]  }
0x2: {  	s2 =	srdreg.scid;
	s4 =	rddreg [dreg:$0x1]  }
0x3: {  	s0 =	stileid.u32;
	s6 =	rddreg [dreg:$0x2]  }
0x4: {  	s3 =	simm.s32 $0x0;
	s12 =	simm.s32 $0xC800;
	s13 =	simm.s32 $0x190  }
0x5: {  	s14 =	simm.s32 $0x12C00;
	s15 =	simm.s32 $0x258;
	s16 =	simm.s32 $0x19000  }
0x6: {  	s17 =	simm.s32 $0x2;
	s18 =	simm.s32 $0x4;
	s19 =	simm.s32 $0x5  }
0x7: {  	s20 =	simm.s32 $0x6;
	s21 =	simm.s32 $0x7;
	s22 =	simm.s32 $0x8  }
0x8: {  	s5 =	sand.u32 $0x1, s2;
	s29 =	sshll.u32 s0, $0x1;
	s11 =	smul.u32 $0xC8000, s0  }
0x9: {  	s23 =	simm.s32 $0x9;
	s7 =	sor.u32 s5, s29;
	s30 =	smul.u32 $0x64000, s5  }
0xa: {  	s24 =	simm.s32 $0x0;
	[smem:$0x7FF] =	sst s3;
	s8 =	smul.u32 $0x6400, s7  }
0xb: {  	s9 =	ssub.s32 $0x2, s5;
	_ =	strace $0x80000047;
	s7 =	smul.u32 $0x64000, s7  }
.Ltmp0:
0xc: {  	s10 =	sshrl.u32 s9, $0x1;
	s31 =	sadd.s32 s11, s6;
	(pc) =	sbr.rel .LBB2_1-.Ltmp0, $4  }
0xd: {  	s11 =	simm.s32 $0x6400;
	s9 =	ssub.s32 s9, s10;
	s10 =	simm.s32 $0xC8  }
0xe: {  	s8 =	sshrl.u32 s8, $0x3;
	s7 =	sadd.s32 s6, s7;
	s5 =	smax.u32 s9, $0x1  }
0xf: {  	s9 =	simm.s32 $0x1;
	s4 =	sadd.s32 s4, s8;
	s8 =	sadd.s32 s30, s31  }
0x10: {  	s6 =	sadd.s32 $0x61A80, s7;
	s7 =	sadd.s32 $0x63380, s7;
	s8 =	sadd.s32 $0x2580, s8  }
.LBB2_4:
0x11: {  	_ =	swait.ge [sflag:s19], $0x6400  }
0x12: {  	[sflag:s19] =	ssyncset.done $0x0  }
0x13: {  	[sflag:s19] =	ssyncadd.s32 $0xFFFF9C00  }
0x14: {  	[hbm4b:s7+s3] =	stream.linear.scatter [tilespmem:s16], [sflag:$0x9], $0x6400, $0x38;
	[tilespmem:$0x1F400] =	vst v63  }
0x15: {  	_ =	swait.ge [sflag:s20], $0x6400  }
0x16: {  	[sflag:s20] =	ssyncset.done $0x0  }
0x17: {  	[sflag:s20] =	ssyncadd.s32 $0xFFFF9C00  }
0x18: {  	_ =	swait.ge [sflag:s21], $0x6400  }
0x19: {  	[sflag:s21] =	ssyncset.done $0x0  }
0x1a: {  	s24 =	sadd.s32 $0x1, s24;
	[sflag:s21] =	ssyncadd.s32 $0xFFFF9C00  }
0x1b: {  	p0 =	sne.s32 s24, s5;
	_ =	swait.ge [sflag:s22], $0x6400  }
.Ltmp1:
0x1c: {  	[sflag:s22] =	ssyncset.done $0x0;
	(pc) =	sbr.rel @!p0 .LBB2_5-.Ltmp1, $4  }
0x1d: {  	[sflag:s22] =	ssyncadd.s32 $0xFFFF9C00  }
0x1e: {  	_ =	swait.ge [sflag:s23], $0x6400  }
0x1f: {  	[sflag:s23] =	ssyncset.done $0x0  }
0x20: {  	[sflag:s23] =	ssyncadd.s32 $0xFFFF9C00  }
.LBB2_1:
0x21: {  	[tilespmem:s3], [sflag:$0x1] =	stream.linear.gather [hbm4b:s4+s3], $0x6400, $0x38;
	[tilespmem:$0x1F400] =	vst v63  }
0x22: {  	_ =	swait.ge [sflag:s9], $0x6400  }
0x23: {  	[sflag:s9] =	ssyncset.done $0x0  }
0x24: {  	[sflag:s9] =	ssyncadd.s32 $0xFFFF9C00  }
0x25: {  	[tilespmem:s11], [sflag:$0x2] =	stream.indirect.gather [hbm4b:s1+s10], $0x80, s3, s10, $0xb8;
	[tilespmem:$0x1F400] =	vst v63  }
0x26: {  	_ = 	snop  }
0x27: {  	[tilespmem:s12], [sflag:$0x3] =	stream.indirect.gather [hbm4b:s1+s10], $0x80, s10, s10, $0xb8;
	[tilespmem:$0x1F400] =	vst v63  }
0x28: {  	_ = 	snop  }
0x29: {  	[tilespmem:s14], [sflag:$0x4] =	stream.indirect.gather [hbm4b:s1+s10], $0x80, s13, s10, $0xb8;
	[tilespmem:$0x1F400] =	vst v63  }
0x2a: {  	s25 =	smov.u32 s8;
	s26 =	simm.s32 $0x0  }
0x2b: {  	[tilespmem:s16], [sflag:$0x5] =	stream.indirect.gather [hbm4b:s1+s10], $0x80, s15, s10, $0xb8;
	[tilespmem:$0x1F400] =	vst v63  }
.LBB2_2:
0x2c: {  	_ =	swait.ge [sflag:s17], $0x6400  }
0x2d: {  	[sflag:s17] =	ssyncset.done $0x0  }
0x2e: {  	s28 =	sadd.s32 $0xFFFFDA80, s25;
	p0 =	seq.s32 s26, $0x18380;
	[sflag:s17] =	ssyncadd.s32 $0xFFFF9C00  }
0x2f: {  	[hbm4b:s28+s3] =	stream.linear.scatter [tilespmem:s11], [sflag:$0x6], $0x6400, $0x38;
	[tilespmem:$0x1F400] =	vst v63  }
0x30: {  	s28 =	simm.s32 @p0 $0x3  }
0x31: {  	_ =	swait.ge @p0 [sflag:s28], $0x6400  }
0x32: {  	[sflag:s28] =	ssyncset.done @p0 $0x0  }
0x33: {  	s29 =	simm.s32 @p0 $0xC800;
	[sflag:s28] =	ssyncadd.s32 @p0 $0xFFFF9C00;
	s28 =	simm.s32 @p0 $0x0  }
0x34: {  	[hbm4b:s6+s28] =	stream.linear.scatter @p0 [tilespmem:s29], [sflag:$0x7], $0x6400, $0x38;
	[tilespmem:$0x1F400] =	vst v63  }
0x35: {  	s28 =	simm.s32 @!p0 $0x6  }
0x36: {  	_ =	swait.ge @!p0 [sflag:s28], $0x6400  }
0x37: {  	[sflag:s28] =	ssyncset.done @!p0 $0x0  }
0x38: {  	[sflag:s28] =	ssyncadd.s32 @!p0 $0xFFFF9C00;
	s28 =	sshra.s32 @!p0 s26, $0x2  }
0x39: {  	s30 =	simm.s32 @!p0 $0xC8;
	s31 =	simm.s32 @!p0 $0x6400;
	s29 =	sadd.s32 @!p0 $0x320, s28  }
0x3a: {  	[tilespmem:s31], [sflag:$0x2] =	stream.indirect.gather @!p0 [hbm4b:s1+s30], $0x80, s29, s30, $0xb8;
	[tilespmem:$0x1F400] =	vst v63  }
0x3b: {  	s29 =	simm.s32 @!p0 $0x3  }
0x3c: {  	_ =	swait.ge @!p0 [sflag:s29], $0x6400  }
0x3d: {  	s2 =	simm.s32 @!p0 $0xC800;
	[sflag:s29] =	ssyncset.done @!p0 $0x0  }
0x3e: {  	s31 =	simm.s32 @!p0 $0x0;
	[sflag:s29] =	ssyncadd.s32 @!p0 $0xFFFF9C00;
	s29 =	sadd.s32 @!p0 $0xFFFFE700, s25  }
0x3f: {  	[hbm4b:s29+s31] =	stream.linear.scatter @!p0 [tilespmem:s2], [sflag:$0x7], $0x6400, $0x38;
	[tilespmem:$0x1F400] =	vst v63  }
0x40: {  	s29 =	simm.s32 @!p0 $0x7  }
0x41: {  	_ =	swait.ge @!p0 [sflag:s29], $0x6400  }
0x42: {  	[sflag:s29] =	ssyncset.done @!p0 $0x0  }
0x43: {  	s28 =	sadd.s32 @!p0 $0x3E8, s28;
	[sflag:s29] =	ssyncadd.s32 @!p0 $0xFFFF9C00  }
0x44: {  	[tilespmem:s2], [sflag:$0x3] =	stream.indirect.gather @!p0 [hbm4b:s1+s30], $0x80, s28, s30, $0xb8;
	[tilespmem:$0x1F400] =	vst v63  }
.Ltmp2:
0x45: {  	_ = 	snop;
	(pc) =	sbr.rel @p0 .LBB2_4-.Ltmp2, $4  }
0x46: {  	_ =	swait.ge [sflag:s18], $0x6400  }
0x47: {  	[sflag:s18] =	ssyncset.done $0x0  }
0x48: {  	s31 =	sadd.s32 $0xFFFFF380, s25;
	[sflag:s18] =	ssyncadd.s32 $0xFFFF9C00  }
0x49: {  	[hbm4b:s31+s3] =	stream.linear.scatter [tilespmem:s14], [sflag:$0x8], $0x6400, $0x38;
	[tilespmem:$0x1F400] =	vst v63  }
0x4a: {  	_ =	swait.ge [sflag:s22], $0x6400  }
0x4b: {  	s2 =	sshra.s32 s26, $0x2;
	[sflag:s22] =	ssyncset.done $0x0  }
0x4c: {  	s28 =	sadd.s32 $0x4B0, s2;
	[sflag:s22] =	ssyncadd.s32 $0xFFFF9C00  }
0x4d: {  	[tilespmem:s14], [sflag:$0x4] =	stream.indirect.gather [hbm4b:s1+s10], $0x80, s28, s10, $0xb8;
	[tilespmem:$0x1F400] =	vst v63  }
0x4e: {  	_ =	swait.ge [sflag:s19], $0x6400  }
0x4f: {  	[sflag:s19] =	ssyncset.done $0x0  }
0x50: {  	[sflag:s19] =	ssyncadd.s32 $0xFFFF9C00  }
0x51: {  	[hbm4b:s25+s3] =	stream.linear.scatter [tilespmem:s16], [sflag:$0x9], $0x6400, $0x38;
	[tilespmem:$0x1F400] =	vst v63  }
.Ltmp3:
0x52: {  	_ = 	snop;
	(pc) =	sbr.rel .LBB2_2-.Ltmp3, $4  }
0x53: {  	_ =	swait.ge [sflag:s23], $0x6400  }
0x54: {  	s26 =	sadd.s32 $0xC80, s26;
	[sflag:s23] =	ssyncset.done $0x0  }
0x55: {  	s2 =	sadd.s32 $0x578, s2;
	s25 =	sadd.s32 $0x3200, s25;
	[sflag:s23] =	ssyncadd.s32 $0xFFFF9C00  }
0x56: {  	[tilespmem:s16], [sflag:$0x5] =	stream.indirect.gather [hbm4b:s1+s10], $0x80, s2, s10, $0xb8;
	[tilespmem:$0x1F400] =	vst v63  }
.LBB2_5:
0x57: {  	_ =	sfence.sel $0x180000  }
0x58: {  	[bflag:$0x0] =	sbarrier.arrive $0xFFFF  }
0x59: {  	_ =	strace $0x90000047  }
0x5a: {  	[bflag:$0x2] =	sbarrier.arrive $0xFFFF  }
0x5b: {  	p0 =	sne.s32 s0, $0x0;
	s0 =	rddreg [dreg:$0x3]  }
0x5c: {  	s0 =	sadd.s32 @!p0 $0x100000, s0  }
0x5d: {  	[sflag:s0] =	ssyncadd.tile.s32 @!p0 $0x1;
	_ =	shalt  }
.Lfunc_end2:
_tile_overlayer_lowered:
.L_overlay_start_2:
0x5e: {  	(tag) =	ssettag $0x2  }
0x5f: {  	s0 =	rddreg [dreg:$0x0];
	s2 =	stileid.u32  }
0x60: {  	s1 =	rddreg [dreg:$0x1];
	p0 =	sne.s32 s2, $0x0  }
0x61: {  	s3 =	rddreg [dreg:$0x2];
	[bflag:$0x3] =	sbarrier.arrive $0xFFFF;
	s2 =	simm.s32 @!p0 $0x1C0A  }
0x62: {  	[timem:s3], [sflag:s2] =	dma.local @!p0 [hbm:s0], s1  }
0x63: {  	s0 =	simm.s32 @!p0 $0xA  }
0x64: {  	_ =	swait.ge @!p0 [sflag:s0], s1  }
0x65: {  	s1 =	ssub.s32 @!p0 $0x0, s1;
	[sflag:s0] =	ssyncset.done @!p0 $0x0  }
0x66: {  	[sflag:s0] =	ssyncadd.s32 @!p0 s1  }
0x67: {  	[bflag:$0x3] =	sbarrier.arrive $0xFFFF  }
0x68: {  	_ =	shalt  }

</sc_bundles>
